<compile_context>
chip_gen: v7x
topology: tpu7x:2x2x1
jax: 0.10.2.dev20260603
libtpu: 0.0.44.dev20260713+nightly
codegen_flags: <defaults>
</compile_context>

<pallas_src>
import functools

import jax
import jax.numpy as jnp
import numpy as np
from jax import lax
from jax.experimental import pallas as pl
from jax.experimental.pallas import tpu as pltpu
from jax.experimental.pallas import tpu_sc as plsc

DIM = 128
L_LITS = 20000

_EB = 128
_NW = 32


def _make_segop(mode, n_out, r_tile, n_pass, e_pad):
    rw = n_out // _NW
    assert rw == r_tile * n_pass and r_tile % 8 == 0
    nu = _NW * n_pass
    nu_pad = -(-(nu + 1) // 8) * 8
    mesh = plsc.VectorSubcoreMesh(core_axis_name="c", subcore_axis_name="s")
    if mode == "sum":
        out_type = jax.ShapeDtypeStruct((n_out, DIM), jnp.float32)
    else:
        out_type = (jax.ShapeDtypeStruct((n_out, DIM), jnp.float32),
                    jax.ShapeDtypeStruct((n_out, DIM), jnp.float32))
    scratch = [
        pltpu.VMEM((r_tile, DIM), jnp.float32),
        pltpu.VMEM_SHARED((384, DIM), jnp.float32),
        pltpu.VMEM((_EB, DIM), jnp.float32),
        pltpu.VMEM((_EB,), jnp.int32),
        pltpu.VMEM((_EB, 16), jnp.int32),
        pltpu.VMEM((_EB, DIM), jnp.float32),
        pltpu.VMEM((_EB,), jnp.int32),
        pltpu.VMEM((_EB, 16), jnp.int32),
        pltpu.VMEM((nu_pad, 16), jnp.int32),
        pltpu.SemaphoreType.DMA,
        pltpu.SemaphoreType.DMA,
    ]
    if mode == "lse":
        scratch.insert(2, pltpu.VMEM((r_tile, DIM), jnp.float32))
        scratch.insert(3, pltpu.VMEM_SHARED((384, DIM), jnp.float32))

    @functools.partial(pl.kernel, out_type=out_type, mesh=mesh,
                       compiler_params=pltpu.CompilerParams(
                           use_tc_tiling_on_sc=False),
                       scratch_types=scratch)
    def segop(feat, g, sd16, tb, *rest):
        if mode == "sum":
            (out, accum, zconst, rows_v, idx_v, sd_v, rows_w, idx_w, sd_w,
             tb_v, sem, sem2) = rest
        else:
            (out_s, out_m, accum, zconst, amax, mconst, rows_v, idx_v, sd_v,
             rows_w, idx_w, sd_w, tb_v, sem, sem2) = rest
        bufs = ((rows_v, idx_v, sd_v, sem), (rows_w, idx_w, sd_w, sem2))
        w = lax.axis_index("s") * 2 + lax.axis_index("c")
        pltpu.sync_copy(tb, tb_v)
        zv = jnp.zeros((16,), jnp.float32)

        def zbody(r, _):
            for j in range(DIM // 16):
                rows_v[r, pl.ds(j * 16, 16)] = zv
            return 0

        lax.fori_loop(0, _EB, zbody, 0)
        for off in (0, 128, 256):
            pltpu.sync_copy(rows_v, zconst.at[pl.ds(off, _EB)])
        if mode == "lse":
            mv = jnp.full((16,), -3e38, jnp.float32)

            def mbody(r, _):
                for j in range(DIM // 16):
                    rows_v[r, pl.ds(j * 16, 16)] = mv
                return 0

            lax.fori_loop(0, _EB, mbody, 0)
            for off in (0, 128, 256):
                pltpu.sync_copy(rows_v, mconst.at[pl.ds(off, _EB)])

        def unit_bounds(p):
            u = w * n_pass + p
            lo = tb_v[u, pl.ds(0, 16)][0]
            hi = tb_v[u + 1, pl.ds(0, 16)][0]
            return lo, hi

        def start_gather(bs, b):
            rows_b, idx_b, sd_b, sem_b = bufs[b]
            pltpu.sync_copy(g.at[pl.ds(bs, _EB)], idx_b)
            pltpu.sync_copy(sd16.at[pl.ds(bs, _EB)], sd_b)
            pltpu.async_copy(feat.at[idx_b], rows_b, sem_b)

        def wait_gather(b):
            rows_b, idx_b, sd_b, sem_b = bufs[b]
            pltpu.make_async_copy(feat.at[idx_b], rows_b, sem_b).wait()

        def edge_range(bs, lo, hi):
            i0 = jnp.maximum(lo - bs, 0)
            i1 = jnp.minimum(hi - bs, _EB)
            return i0, i1

        def run_blocks(lo_al, nblk, lo, hi, process):
            @pl.when(nblk > 0)
            def _():
                start_gather(lo_al, 0)

            def pair(b2, _):
                bi0 = 2 * b2
                bs0 = lo_al + bi0 * _EB
                wait_gather(0)

                @pl.when(bi0 + 1 < nblk)
                def _():
                    start_gather(bs0 + _EB, 1)

                i0, i1 = edge_range(bs0, lo, hi)
                process(0, i0, i1)

                @pl.when(bi0 + 1 < nblk)
                def _():
                    wait_gather(1)

                    @pl.when(bi0 + 2 < nblk)
                    def _():
                        start_gather(bs0 + 2 * _EB, 0)

                    j0, j1 = edge_range(bs0 + _EB, lo, hi)
                    process(1, j0, j1)

                return 0

            lax.fori_loop(0, (nblk + 1) // 2, pair, 0)

        def p_loop_sum(p, _):
            lo, hi = unit_bounds(p)
            base_row = w * rw + p * r_tile
            pltpu.sync_copy(zconst.at[pl.ds(0, r_tile)], accum)
            lo_al = (lo // _EB) * _EB
            nblk = (hi - lo_al + _EB - 1) // _EB

            def process(b, i0, i1):
                rows_b, _, sd_b, _s = bufs[b]

                def edge(i, _e):
                    ldi = sd_b[i, pl.ds(0, 16)][0] - base_row
                    for j in range(DIM // 16):
                        sl = pl.ds(j * 16, 16)
                        accum[ldi, sl] = accum[ldi, sl] + rows_b[i, sl]
                    return 0

                lax.fori_loop(i0, i1, edge, 0)

            run_blocks(lo_al, nblk, lo, hi, process)
            pltpu.sync_copy(
                accum,
                out.at[pl.ds(pl.multiple_of(base_row, 8), r_tile)])
            return 0

        def p_loop_lse(p, _):
            lo, hi = unit_bounds(p)
            base_row = w * rw + p * r_tile
            pltpu.sync_copy(zconst.at[pl.ds(0, r_tile)], accum)
            pltpu.sync_copy(mconst.at[pl.ds(0, r_tile)], amax)
            lo_al = (lo // _EB) * _EB
            nblk = (hi - lo_al + _EB - 1) // _EB

            def processA(b, i0, i1):
                rows_b, _, sd_b, _s = bufs[b]

                def edge(i, _e):
                    ldi = sd_b[i, pl.ds(0, 16)][0] - base_row
                    for j in range(DIM // 16):
                        sl = pl.ds(j * 16, 16)
                        amax[ldi, sl] = jnp.maximum(amax[ldi, sl],
                                                    rows_b[i, sl])
                    return 0

                lax.fori_loop(i0, i1, edge, 0)

            run_blocks(lo_al, nblk, lo, hi, processA)

            def processB(b, i0, i1):
                rows_b, _, sd_b, _s = bufs[b]

                def edge(i, _e):
                    ldi = sd_b[i, pl.ds(0, 16)][0] - base_row
                    for j in range(DIM // 16):
                        sl = pl.ds(j * 16, 16)
                        accum[ldi, sl] = accum[ldi, sl] + jnp.exp(
                            rows_b[i, sl] - amax[ldi, sl])
                    return 0

                lax.fori_loop(i0, i1, edge, 0)

            run_blocks(lo_al, nblk, lo, hi, processB)
            ob = pl.ds(pl.multiple_of(base_row, 8), r_tile)
            pltpu.sync_copy(accum, out_s.at[ob])
            pltpu.sync_copy(amax, out_m.at[ob])
            return 0

        lax.fori_loop(0, n_pass, p_loop_sum if mode == "sum" else p_loop_lse,
                      0)

    return segop


@functools.lru_cache(maxsize=None)
def _segop_fn(mode, n_out, r_tile, n_pass, e_pad):
    return jax.jit(_make_segop(mode, n_out, r_tile, n_pass, e_pad))


def _segop_sc(mode, feat, g, sd, n_out, r_tile, n_pass):
    e = g.shape[0]
    e_pad = e + _EB
    rw = n_out // _NW
    n_pass_i = n_pass
    nu = _NW * n_pass_i
    nu_pad = -(-(nu + 1) // 8) * 8
    u = jnp.arange(nu + 1, dtype=jnp.int32)
    row0 = (u // n_pass_i) * rw + (u % n_pass_i) * r_tile
    tb = jnp.searchsorted(sd, row0, side="left").astype(jnp.int32)
    tb = jnp.concatenate([tb, jnp.full((nu_pad - nu - 1,), e, jnp.int32)])
    tb = jnp.broadcast_to(tb[:, None], (nu_pad, 16))
    g_p = jnp.concatenate([g.astype(jnp.int32),
                           jnp.zeros((e_pad - e,), jnp.int32)])
    sd16 = jnp.broadcast_to(
        jnp.concatenate([sd.astype(jnp.int32),
                         jnp.zeros((e_pad - e,), jnp.int32)])[:, None],
        (e_pad, 16))
    fn = _segop_fn(mode, n_out, r_tile, n_pass_i, e_pad)
    return fn(feat, g_p, sd16, tb)


def _segsum_sc(feat, g, sd, n_out, r_tile, n_pass):
    return _segop_sc("sum", feat, g, sd, n_out, r_tile, n_pass)


def _seglse_sc(feat, g, sd, n_out, r_tile, n_pass):
    return _segop_sc("lse", feat, g, sd, n_out, r_tile, n_pass)


_BM = 640


def _pairswap(y, bm):
    down = pltpu.roll(y, bm - 1, 0)
    up = pltpu.roll(y, 1, 0)
    row = jax.lax.broadcasted_iota(jnp.int32, (bm, DIM), 0)
    return jnp.where((row % 2) == 0, down, up)


def _m1_body(x_ref, w1_ref, b1_ref, w2_ref, b2_ref, nw1_ref, nb1_ref,
             nw2_ref, nb2_ref, o_ref):
    x = x_ref[...]
    h = jnp.maximum(
        jnp.dot(x, w1_ref[...], preferred_element_type=jnp.float32)
        + b1_ref[...], 0.0)
    y = (jnp.dot(h, w2_ref[...], preferred_element_type=jnp.float32)
         + b2_ref[...])
    inv = _pairswap(y, x.shape[0])
    z = jnp.concatenate([y, inv], axis=1)
    h2 = jnp.maximum(
        jnp.dot(z, nw1_ref[...], preferred_element_type=jnp.float32)
        + nb1_ref[...], 0.0)
    o_ref[...] = (jnp.dot(h2, nw2_ref[...], preferred_element_type=jnp.float32)
                  + nb2_ref[...])


def _mlp_fused_l2c(x, w1, b1, w2, b2, nw1, nb1, nw2, nb2):
    n = x.shape[0]
    grid = n // _BM
    full = lambda s: pl.BlockSpec(s, lambda i: (0, 0))
    return pl.pallas_call(
        _m1_body,
        grid=(grid,),
        in_specs=[
            pl.BlockSpec((_BM, DIM), lambda i: (i, 0)),
            full((DIM, DIM)), full((1, DIM)), full((DIM, DIM)), full((1, DIM)),
            full((2 * DIM, DIM)), full((1, DIM)), full((DIM, DIM)), full((1, DIM)),
        ],
        out_specs=pl.BlockSpec((_BM, DIM), lambda i: (i, 0)),
        out_shape=jax.ShapeDtypeStruct((n, DIM), jnp.float32),
    )(x, w1, b1.reshape(1, DIM), w2, b2.reshape(1, DIM),
      nw1, nb1.reshape(1, DIM), nw2, nb2.reshape(1, DIM))


def _m2_body(s_ref, m_ref, w1_ref, b1_ref, w2_ref, b2_ref, o_ref):
    s = s_ref[...]
    m = m_ref[...]
    x = jnp.log(s + 1e-12) + jnp.where(s > 0, m, 0.0)
    h = jnp.maximum(
        jnp.dot(x, w1_ref[...], preferred_element_type=jnp.float32)
        + b1_ref[...], 0.0)
    o_ref[...] = (jnp.dot(h, w2_ref[...], preferred_element_type=jnp.float32)
                  + b2_ref[...])


def _mlp_fused_c2l(s, m, w1, b1, w2, b2):
    n = s.shape[0]
    grid = n // _BM
    full = lambda sh: pl.BlockSpec(sh, lambda i: (0, 0))
    return pl.pallas_call(
        _m2_body,
        grid=(grid,),
        in_specs=[
            pl.BlockSpec((_BM, DIM), lambda i: (i, 0)),
            pl.BlockSpec((_BM, DIM), lambda i: (i, 0)),
            full((DIM, DIM)), full((1, DIM)), full((DIM, DIM)), full((1, DIM)),
        ],
        out_specs=pl.BlockSpec((_BM, DIM), lambda i: (i, 0)),
        out_shape=jax.ShapeDtypeStruct((n, DIM), jnp.float32),
    )(s, m, w1, b1.reshape(1, DIM), w2, b2.reshape(1, DIM))


def _m3_body(x_ref, w1_ref, b1_ref, w2_ref, b2_ref, o_ref):
    x = x_ref[...]
    h = jnp.maximum(
        jnp.dot(x, w1_ref[...], preferred_element_type=jnp.float32)
        + b1_ref[...], 0.0)
    y = (jnp.dot(h, w2_ref[...], preferred_element_type=jnp.float32)
         + b2_ref[...])
    d = y - _pairswap(y, x.shape[0])
    o_ref[...] = jax.nn.sigmoid(d)


def _readout(x, w1, b1, w2, b2):
    w2p = jnp.pad(w2, ((0, 0), (0, DIM - 1)))
    b2p = jnp.pad(b2.reshape(1, 1), ((0, 0), (0, DIM - 1)))
    n = x.shape[0]
    bm = 400
    grid = n // bm
    full = lambda sh: pl.BlockSpec(sh, lambda i: (0, 0))
    out = pl.pallas_call(
        _m3_body,
        grid=(grid,),
        in_specs=[
            pl.BlockSpec((bm, DIM), lambda i: (i, 0)),
            full((DIM, DIM)), full((1, DIM)), full((DIM, DIM)), full((1, DIM)),
        ],
        out_specs=pl.BlockSpec((bm, DIM), lambda i: (i, 0)),
        out_shape=jax.ShapeDtypeStruct((n, DIM), jnp.float32),
    )(x, w1, b1.reshape(1, DIM), w2p, b2p)
    return out[:, 0].reshape(-1, 2)


def kernel(sign_l_edge_index, c2l_msg_repeat_index, c2l_msg_scatter_index,
           l2c_msg_aggr_repeat_index, l2c_msg_aggr_scatter_index,
           l2c_msg_scatter_index, num_edges, l_size,
           c2l_init, l2c_init,
           c2l_W1, c2l_b1, c2l_W2, c2l_b2,
           l2c_W1, l2c_b1, l2c_W2, l2c_b2,
           nm_W1, nm_b1, nm_W2, nm_b2,
           ro_W1, ro_b1, ro_W2, ro_b2):
    E = sign_l_edge_index.shape[0]
    denom = np.sqrt(DIM)

    perm1 = jnp.argsort(c2l_msg_scatter_index)
    sd1 = c2l_msg_scatter_index[perm1]
    g1 = c2l_msg_repeat_index[perm1]

    perm2 = jnp.argsort(l2c_msg_aggr_scatter_index)
    sd2 = l2c_msg_aggr_scatter_index[perm2]
    g2 = l2c_msg_aggr_repeat_index[perm2]

    perm3 = jnp.argsort(l2c_msg_scatter_index)
    sd3 = l2c_msg_scatter_index[perm3]

    perm4 = jnp.argsort(sign_l_edge_index)
    sd4 = sign_l_edge_index[perm4]

    c2l_feat = jnp.tile(c2l_init / denom, (E, 1))

    for _ in range(2):
        c2l_msg = _segsum_sc(c2l_feat, g1, sd1, E, 200, 25)
        l2c_feat = _mlp_fused_l2c(c2l_msg, l2c_W1, l2c_b1, l2c_W2, l2c_b2,
                                  nm_W1, nm_b1, nm_W2, nm_b2)
        l2c_aggr = _segsum_sc(l2c_feat, g2, sd2, E, 200, 25)
        s, m = _seglse_sc(l2c_aggr, perm3.astype(jnp.int32), sd3, E, 200, 25)
        c2l_feat = _mlp_fused_c2l(s, m, c2l_W1, c2l_b1, c2l_W2, c2l_b2)

    l_logit = _segsum_sc(c2l_feat, perm4.astype(jnp.int32), sd4, 20480,
                         320, 2)[:L_LITS]
    out = _readout(l_logit, ro_W1, ro_b1, ro_W2, ro_b2)
    return out + 0.0 * (num_edges + l_size)

# --- scband reference (transcript-rebuilt; emitter-appended) ---
"""Pipeline reference for scband-nsnet-83829171683549 (READ-ONLY COPY).

The authoritative reference and input builder live on the scoring server;
editing this copy changes nothing except your own understanding.
"""

import jax, jax.numpy as jnp
import numpy as np

DIM = 128
E = 160000
L = 20000
N_ROUNDS = 2


def _mlp(x, W1, b1, W2, b2):
    return jax.nn.relu(x @ W1 + b1) @ W2 + b2


def _scatter_logsumexp(src, index, num_segments):
    seg_max = jax.ops.segment_max(src, index, num_segments=num_segments)
    seg_max = jnp.where(jnp.isfinite(seg_max), seg_max, 0.0)
    seg_sum = jax.ops.segment_sum(jnp.exp(src - seg_max[index]), index, num_segments=num_segments)
    return jnp.log(seg_sum + 1e-12) + seg_max


def setup_inputs(seed: int = 0):
    key = jax.random.key(seed)
    ks = jax.random.split(key, 20)
    s = 1.0 / np.sqrt(DIM)
    s2 = 1.0 / np.sqrt(2 * DIM)
    inp = {
        "sign_l_edge_index": jax.random.randint(ks[0], (E,), 0, L),
        "c2l_msg_repeat_index": jax.random.randint(ks[1], (E,), 0, E),
        "c2l_msg_scatter_index": jax.random.randint(ks[2], (E,), 0, E),
        "l2c_msg_aggr_repeat_index": jax.random.randint(ks[3], (E,), 0, E),
        "l2c_msg_aggr_scatter_index": jax.random.randint(ks[4], (E,), 0, E),
        "l2c_msg_scatter_index": jax.random.randint(ks[5], (E,), 0, E),
        "num_edges": E,
        "l_size": L,
        "c2l_init": jax.random.normal(ks[6], (1, DIM), jnp.float32),
        "l2c_init": jax.random.normal(ks[7], (1, DIM), jnp.float32),
        "c2l_W1": jax.random.normal(ks[8], (DIM, DIM), jnp.float32) * s,
        "c2l_b1": jnp.zeros((DIM,), jnp.float32),
        "c2l_W2": jax.random.normal(ks[9], (DIM, DIM), jnp.float32) * s,
        "c2l_b2": jnp.zeros((DIM,), jnp.float32),
        "l2c_W1": jax.random.normal(ks[10], (DIM, DIM), jnp.float32) * s,
        "l2c_b1": jnp.zeros((DIM,), jnp.float32),
        "l2c_W2": jax.random.normal(ks[11], (DIM, DIM), jnp.float32) * s,
        "l2c_b2": jnp.zeros((DIM,), jnp.float32),
        "nm_W1": jax.random.normal(ks[12], (2 * DIM, DIM), jnp.float32) * s2,
        "nm_b1": jnp.zeros((DIM,), jnp.float32),
        "nm_W2": jax.random.normal(ks[13], (DIM, DIM), jnp.float32) * s,
        "nm_b2": jnp.zeros((DIM,), jnp.float32),
        "ro_W1": jax.random.normal(ks[14], (DIM, DIM), jnp.float32) * s,
        "ro_b1": jnp.zeros((DIM,), jnp.float32),
        "ro_W2": jax.random.normal(ks[15], (DIM, 1), jnp.float32) * s,
        "ro_b2": jnp.zeros((1,), jnp.float32),
    }
    return inp


def reference(sign_l_edge_index, c2l_msg_repeat_index, c2l_msg_scatter_index,
              l2c_msg_aggr_repeat_index, l2c_msg_aggr_scatter_index, l2c_msg_scatter_index,
              num_edges, l_size,
              c2l_init, l2c_init,
              c2l_W1, c2l_b1, c2l_W2, c2l_b2,
              l2c_W1, l2c_b1, l2c_W2, l2c_b2,
              nm_W1, nm_b1, nm_W2, nm_b2,
              ro_W1, ro_b1, ro_W2, ro_b2):
    denom = np.sqrt(DIM)
    n_edges = sign_l_edge_index.shape[0]
    n_lits = L
    c2l_feat = jnp.tile(c2l_init / denom, (n_edges, 1))
    l2c_feat = jnp.tile(l2c_init / denom, (n_edges, 1))
    agg_size = l2c_msg_scatter_index.shape[0]
    for _ in range(N_ROUNDS):
        c2l_msg = jax.ops.segment_sum(c2l_feat[c2l_msg_repeat_index], c2l_msg_scatter_index, num_segments=n_edges)
        l2c_new = _mlp(c2l_msg, l2c_W1, l2c_b1, l2c_W2, l2c_b2)
        v2c = l2c_new.reshape(n_edges // 2, -1)
        # n_attn_rounds = 0: self-attention block skipped
        p, n = jnp.split(v2c, 2, axis=1)
        l2c_inv = jnp.concatenate([n, p], axis=1).reshape(n_edges, -1)
        l2c_feat = _mlp(jnp.concatenate([l2c_new, l2c_inv], axis=1), nm_W1, nm_b1, nm_W2, nm_b2)
        l2c_aggr = jax.ops.segment_sum(l2c_feat[l2c_msg_aggr_repeat_index], l2c_msg_aggr_scatter_index, num_segments=agg_size)
        l2c_msg = _scatter_logsumexp(l2c_aggr, l2c_msg_scatter_index, n_edges)
        c2l_feat = _mlp(l2c_msg, c2l_W1, c2l_b1, c2l_W2, c2l_b2)
    l_logit = jax.ops.segment_sum(c2l_feat, sign_l_edge_index, num_segments=n_lits)
    l_logit = _mlp(l_logit, ro_W1, ro_b1, ro_W2, ro_b2)
    l_logit = l_logit + 0 * (num_edges + l_size)
    v_logit = l_logit.reshape(-1, 2)
    return jax.nn.softmax(v_logit, axis=1)

if __name__ == "__main__":
    import jax
    _d = setup_inputs()
    print(jax.jit(kernel)(*tuple(_d.values())))

</pallas_src>

<mosaic_0001>
#map = affine_map<(d0, d1) -> (0, 0)>
#map1 = affine_map<(d0, d1) -> (0)>
module attributes {stable_mosaic.version = 14 : i64} {
  func.func @segop(%arg0: i32, %arg1: i32, %arg2: memref<160000x128xf32, #tpu.memory_space<hbm>>, %arg3: memref<160128xi32, #tpu.memory_space<hbm>>, %arg4: memref<160128x16xi32, #tpu.memory_space<hbm>>, %arg5: memref<808x16xi32, #tpu.memory_space<hbm>>, %arg6: memref<160000x128xf32, #tpu.memory_space<hbm>>, %arg7: memref<200x128xf32, #tpu.memory_space<vmem>>, %arg8: memref<384x128xf32, #tpu.memory_space<vmem_shared>>, %arg9: memref<128x128xf32, #tpu.memory_space<vmem>>, %arg10: memref<128xi32, #tpu.memory_space<vmem>>, %arg11: memref<128x16xi32, #tpu.memory_space<vmem>>, %arg12: memref<128x128xf32, #tpu.memory_space<vmem>>, %arg13: memref<128xi32, #tpu.memory_space<vmem>>, %arg14: memref<128x16xi32, #tpu.memory_space<vmem>>, %arg15: memref<808x16xi32, #tpu.memory_space<vmem>>, %arg16: memref<!tpu.dma_semaphore, #tpu.memory_space<semaphore_mem>>, %arg17: memref<!tpu.dma_semaphore, #tpu.memory_space<semaphore_mem>>) attributes {dimension_semantics = [#tpu.dimension_semantics<core_parallel>, #tpu.dimension_semantics<subcore_parallel>], iteration_bounds = array<i64: 2, 16>, scalar_prefetch = 0 : i64, scratch_operands = 11 : i64, tpu.core_type = #tpu.core_type<sc_vector_subcore>, window_params = [{transform_indices = #map}, {transform_indices = #map1}, {transform_indices = #map}, {transform_indices = #map}, {transform_indices = #map}]} {
    %mul3A = arith.constant 2 : i32
    %mul3A_0 = arith.muli %arg1, %mul3A : i32
    %add3A = arith.addi %mul3A_0, %arg0 : i32
    "tpu.region"() ({
      %run_scoped3A = tpu.sem_alloc : memref<!tpu.dma_semaphore, #tpu.memory_space<semaphore_mem>>
      tpu.enqueue_dma source(%arg5 : memref<808x16xi32, #tpu.memory_space<hbm>>) target(%arg15 : memref<808x16xi32, #tpu.memory_space<vmem>>) target_semaphore(%run_scoped3A : memref<!tpu.dma_semaphore, #tpu.memory_space<semaphore_mem>>)
      tpu.wait_dma2 semaphore(%run_scoped3A : memref<!tpu.dma_semaphore, #tpu.memory_space<semaphore_mem>>) src(%arg5 : memref<808x16xi32, #tpu.memory_space<hbm>>) dst(%arg15 : memref<808x16xi32, #tpu.memory_space<vmem>>)
      tpu.yield
    }) : () -> ()
    %broadcast_in_dim3A = arith.constant 0.000000e+00 : f32
    %broadcast_in_dim3A_1 = vector.broadcast %broadcast_in_dim3A : f32 to vector<16xf32>
    %scan3A = arith.constant 0 : i32
    %scan3A_2 = arith.constant 0 : i32
    %scan3A_3 = arith.constant 128 : i32
    %scan3A_4 = arith.addi %scan3A_2, %scan3A_3 : i32
    %scan3A_5 = arith.constant 1 : i32
    %scan3A_6 = scf.for %scan3A_15 = %scan3A_2 to %scan3A_4 step %scan3A_5 iter_args(%scan3A_16 = %scan3A) -> (i32)  : i32 {
      %swap3A = arith.index_cast %scan3A_15 : i32 to index
      %swap3A_17 = arith.constant 0 : index
      %swap3A_18 = tpu.vector_load %arg9[%swap3A, %swap3A_17] {strides = array<i32>} : memref<128x128xf32, #tpu.memory_space<vmem>>, vector<1x16xf32>,
      %swap3A_19 = vector.shape_cast %swap3A_18 : vector<1x16xf32> to vector<16xf32>
      %swap3A_20 = vector.shape_cast %broadcast_in_dim3A_1 : vector<16xf32> to vector<1x16xf32>
      tpu.vector_store %arg9[%swap3A, %swap3A_17], %swap3A_20 {strides = array<i32>} : memref<128x128xf32, #tpu.memory_space<vmem>>, vector<1x16xf32>,
      %swap3A_21 = arith.index_cast %scan3A_15 : i32 to index
      %swap3A_22 = arith.constant 16 : index
      %swap3A_23 = tpu.vector_load %arg9[%swap3A_21, %swap3A_22] {strides = array<i32>} : memref<128x128xf32, #tpu.memory_space<vmem>>, vector<1x16xf32>,
      %swap3A_24 = vector.shape_cast %swap3A_23 : vector<1x16xf32> to vector<16xf32>
      %swap3A_25 = vector.shape_cast %broadcast_in_dim3A_1 : vector<16xf32> to vector<1x16xf32>
      tpu.vector_store %arg9[%swap3A_21, %swap3A_22], %swap3A_25 {strides = array<i32>} : memref<128x128xf32, #tpu.memory_space<vmem>>, vector<1x16xf32>,
      %swap3A_26 = arith.index_cast %scan3A_15 : i32 to index
      %swap3A_27 = arith.constant 32 : index
      %swap3A_28 = tpu.vector_load %arg9[%swap3A_26, %swap3A_27] {strides = array<i32>} : memref<128x128xf32, #tpu.memory_space<vmem>>, vector<1x16xf32>,
      %swap3A_29 = vector.shape_cast %swap3A_28 : vector<1x16xf32> to vector<16xf32>
      %swap3A_30 = vector.shape_cast %broadcast_in_dim3A_1 : vector<16xf32> to vector<1x16xf32>
      tpu.vector_store %arg9[%swap3A_26, %swap3A_27], %swap3A_30 {strides = array<i32>} : memref<128x128xf32, #tpu.memory_space<vmem>>, vector<1x16xf32>,
      %swap3A_31 = arith.index_cast %scan3A_15 : i32 to index
      %swap3A_32 = arith.constant 48 : index
      %swap3A_33 = tpu.vector_load %arg9[%swap3A_31, %swap3A_32] {strides = array<i32>} : memref<128x128xf32, #tpu.memory_space<vmem>>, vector<1x16xf32>,
      %swap3A_34 = vector.shape_cast %swap3A_33 : vector<1x16xf32> to vector<16xf32>
      %swap3A_35 = vector.shape_cast %broadcast_in_dim3A_1 : vector<16xf32> to vector<1x16xf32>
      tpu.vector_store %arg9[%swap3A_31, %swap3A_32], %swap3A_35 {strides = array<i32>} : memref<128x128xf32, #tpu.memory_space<vmem>>, vector<1x16xf32>,
      %swap3A_36 = arith.index_cast %scan3A_15 : i32 to index
      %swap3A_37 = arith.constant 64 : index
      %swap3A_38 = tpu.vector_load %arg9[%swap3A_36, %swap3A_37] {strides = array<i32>} : memref<128x128xf32, #tpu.memory_space<vmem>>, vector<1x16xf32>,
      %swap3A_39 = vector.shape_cast %swap3A_38 : vector<1x16xf32> to vector<16xf32>
      %swap3A_40 = vector.shape_cast %broadcast_in_dim3A_1 : vector<16xf32> to vector<1x16xf32>
      tpu.vector_store %arg9[%swap3A_36, %swap3A_37], %swap3A_40 {strides = array<i32>} : memref<128x128xf32, #tpu.memory_space<vmem>>, vector<1x16xf32>,
      %swap3A_41 = arith.index_cast %scan3A_15 : i32 to index
      %swap3A_42 = arith.constant 80 : index
      %swap3A_43 = tpu.vector_load %arg9[%swap3A_41, %swap3A_42] {strides = array<i32>} : memref<128x128xf32, #tpu.memory_space<vmem>>, vector<1x16xf32>,
      %swap3A_44 = vector.shape_cast %swap3A_43 : vector<1x16xf32> to vector<16xf32>
      %swap3A_45 = vector.shape_cast %broadcast_in_dim3A_1 : vector<16xf32> to vector<1x16xf32>
      tpu.vector_store %arg9[%swap3A_41, %swap3A_42], %swap3A_45 {strides = array<i32>} : memref<128x128xf32, #tpu.memory_space<vmem>>, vector<1x16xf32>,
      %swap3A_46 = arith.index_cast %scan3A_15 : i32 to index
      %swap3A_47 = arith.constant 96 : index
      %swap3A_48 = tpu.vector_load %arg9[%swap3A_46, %swap3A_47] {strides = array<i32>} : memref<128x128xf32, #tpu.memory_space<vmem>>, vector<1x16xf32>,
      %swap3A_49 = vector.shape_cast %swap3A_48 : vector<1x16xf32> to vector<16xf32>
      %swap3A_50 = vector.shape_cast %broadcast_in_dim3A_1 : vector<16xf32> to vector<1x16xf32>
      tpu.vector_store %arg9[%swap3A_46, %swap3A_47], %swap3A_50 {strides = array<i32>} : memref<128x128xf32, #tpu.memory_space<vmem>>, vector<1x16xf32>,
      %swap3A_51 = arith.index_cast %scan3A_15 : i32 to index
      %swap3A_52 = arith.constant 112 : index
      %swap3A_53 = tpu.vector_load %arg9[%swap3A_51, %swap3A_52] {strides = array<i32>} : memref<128x128xf32, #tpu.memory_space<vmem>>, vector<1x16xf32>,
      %swap3A_54 = vector.shape_cast %swap3A_53 : vector<1x16xf32> to vector<16xf32>
      %swap3A_55 = vector.shape_cast %broadcast_in_dim3A_1 : vector<16xf32> to vector<1x16xf32>
      tpu.vector_store %arg9[%swap3A_51, %swap3A_52], %swap3A_55 {strides = array<i32>} : memref<128x128xf32, #tpu.memory_space<vmem>>, vector<1x16xf32>,
      %scan3A_56 = arith.constant 0 : i32
      scf.yield %scan3A_56 : i32
    }
    %scan3A_7 = arith.constant 128 : i32
    "tpu.region"() ({
      %run_scoped3A = tpu.sem_alloc : memref<!tpu.dma_semaphore, #tpu.memory_space<semaphore_mem>>
      %dma_start3A = arith.constant 0 : i32
      %dma_start3A_15 = arith.constant 0 : i32
      %dma_start3A_16 = tpu.memref_slice %arg8[%dma_start3A, %dma_start3A_15] : memref<384x128xf32, #tpu.memory_space<vmem_shared>> -> memref<128x128xf32, #tpu.memory_space<vmem_shared>>
      %dma_start3A_17 = arith.constant 0 : i32
      %dma_start3A_18 = arith.constant 0 : i32
      %dma_start3A_19 = tpu.memref_slice %arg8[%dma_start3A_17, %dma_start3A_18] : memref<384x128xf32, #tpu.memory_space<vmem_shared>> -> memref<128x128xf32, #tpu.memory_space<vmem_shared>>
      tpu.enqueue_dma source(%arg9 : memref<128x128xf32, #tpu.memory_space<vmem>>) target(%dma_start3A_19 : memref<128x128xf32, #tpu.memory_space<vmem_shared>>) target_semaphore(%run_scoped3A : memref<!tpu.dma_semaphore, #tpu.memory_space<semaphore_mem>>)
      %dma_wait3A = arith.constant 0 : i32
      %dma_wait3A_20 = arith.constant 0 : i32
      %dma_wait3A_21 = tpu.memref_slice %arg8[%dma_wait3A, %dma_wait3A_20] : memref<384x128xf32, #tpu.memory_space<vmem_shared>> -> memref<128x128xf32, #tpu.memory_space<vmem_shared>>
      %dma_wait3A_22 = arith.constant 0 : i32
      %dma_wait3A_23 = arith.constant 0 : i32
      %dma_wait3A_24 = tpu.memref_slice %arg8[%dma_wait3A_22, %dma_wait3A_23] : memref<384x128xf32, #tpu.memory_space<vmem_shared>> -> memref<128x128xf32, #tpu.memory_space<vmem_shared>>
      tpu.wait_dma2 semaphore(%run_scoped3A : memref<!tpu.dma_semaphore, #tpu.memory_space<semaphore_mem>>) src(%arg9 : memref<128x128xf32, #tpu.memory_space<vmem>>) dst(%dma_wait3A_24 : memref<128x128xf32, #tpu.memory_space<vmem_shared>>)
      tpu.yield
    }) : () -> ()
    "tpu.region"() ({
      %run_scoped3A = tpu.sem_alloc : memref<!tpu.dma_semaphore, #tpu.memory_space<semaphore_mem>>
      %dma_start3A = arith.constant 128 : i32
      %dma_start3A_15 = arith.constant 0 : i32
      %dma_start3A_16 = tpu.memref_slice %arg8[%dma_start3A, %dma_start3A_15] : memref<384x128xf32, #tpu.memory_space<vmem_shared>> -> memref<128x128xf32, #tpu.memory_space<vmem_shared>>
      %dma_start3A_17 = arith.constant 128 : i32
      %dma_start3A_18 = arith.constant 0 : i32
      %dma_start3A_19 = tpu.memref_slice %arg8[%dma_start3A_17, %dma_start3A_18] : memref<384x128xf32, #tpu.memory_space<vmem_shared>> -> memref<128x128xf32, #tpu.memory_space<vmem_shared>>
      tpu.enqueue_dma source(%arg9 : memref<128x128xf32, #tpu.memory_space<vmem>>) target(%dma_start3A_19 : memref<128x128xf32, #tpu.memory_space<vmem_shared>>) target_semaphore(%run_scoped3A : memref<!tpu.dma_semaphore, #tpu.memory_space<semaphore_mem>>)
      %dma_wait3A = arith.constant 128 : i32
      %dma_wait3A_20 = arith.constant 0 : i32
      %dma_wait3A_21 = tpu.memref_slice %arg8[%dma_wait3A, %dma_wait3A_20] : memref<384x128xf32, #tpu.memory_space<vmem_shared>> -> memref<128x128xf32, #tpu.memory_space<vmem_shared>>
      %dma_wait3A_22 = arith.constant 128 : i32
      %dma_wait3A_23 = arith.constant 0 : i32
      %dma_wait3A_24 = tpu.memref_slice %arg8[%dma_wait3A_22, %dma_wait3A_23] : memref<384x128xf32, #tpu.memory_space<vmem_shared>> -> memref<128x128xf32, #tpu.memory_space<vmem_shared>>
      tpu.wait_dma2 semaphore(%run_scoped3A : memref<!tpu.dma_semaphore, #tpu.memory_space<semaphore_mem>>) src(%arg9 : memref<128x128xf32, #tpu.memory_space<vmem>>) dst(%dma_wait3A_24 : memref<128x128xf32, #tpu.memory_space<vmem_shared>>)
      tpu.yield
    }) : () -> ()
    "tpu.region"() ({
      %run_scoped3A = tpu.sem_alloc : memref<!tpu.dma_semaphore, #tpu.memory_space<semaphore_mem>>
      %dma_start3A = arith.constant 256 : i32
      %dma_start3A_15 = arith.constant 0 : i32
      %dma_start3A_16 = tpu.memref_slice %arg8[%dma_start3A, %dma_start3A_15] : memref<384x128xf32, #tpu.memory_space<vmem_shared>> -> memref<128x128xf32, #tpu.memory_space<vmem_shared>>
      %dma_start3A_17 = arith.constant 256 : i32
      %dma_start3A_18 = arith.constant 0 : i32
      %dma_start3A_19 = tpu.memref_slice %arg8[%dma_start3A_17, %dma_start3A_18] : memref<384x128xf32, #tpu.memory_space<vmem_shared>> -> memref<128x128xf32, #tpu.memory_space<vmem_shared>>
      tpu.enqueue_dma source(%arg9 : memref<128x128xf32, #tpu.memory_space<vmem>>) target(%dma_start3A_19 : memref<128x128xf32, #tpu.memory_space<vmem_shared>>) target_semaphore(%run_scoped3A : memref<!tpu.dma_semaphore, #tpu.memory_space<semaphore_mem>>)
      %dma_wait3A = arith.constant 256 : i32
      %dma_wait3A_20 = arith.constant 0 : i32
      %dma_wait3A_21 = tpu.memref_slice %arg8[%dma_wait3A, %dma_wait3A_20] : memref<384x128xf32, #tpu.memory_space<vmem_shared>> -> memref<128x128xf32, #tpu.memory_space<vmem_shared>>
      %dma_wait3A_22 = arith.constant 256 : i32
      %dma_wait3A_23 = arith.constant 0 : i32
      %dma_wait3A_24 = tpu.memref_slice %arg8[%dma_wait3A_22, %dma_wait3A_23] : memref<384x128xf32, #tpu.memory_space<vmem_shared>> -> memref<128x128xf32, #tpu.memory_space<vmem_shared>>
      tpu.wait_dma2 semaphore(%run_scoped3A : memref<!tpu.dma_semaphore, #tpu.memory_space<semaphore_mem>>) src(%arg9 : memref<128x128xf32, #tpu.memory_space<vmem>>) dst(%dma_wait3A_24 : memref<128x128xf32, #tpu.memory_space<vmem_shared>>)
      tpu.yield
    }) : () -> ()
    %scan3A_8 = arith.constant 0 : i32
    %scan3A_9 = arith.constant 0 : i32
    %scan3A_10 = arith.constant 25 : i32
    %scan3A_11 = arith.addi %scan3A_9, %scan3A_10 : i32
    %scan3A_12 = arith.constant 1 : i32
    %scan3A_13 = scf.for %scan3A_15 = %scan3A_9 to %scan3A_11 step %scan3A_12 iter_args(%scan3A_16 = %scan3A_8) -> (i32)  : i32 {
      %mul3A_17 = arith.constant 25 : i32
      %mul3A_18 = arith.muli %add3A, %mul3A_17 : i32
      %add3A_19 = arith.addi %mul3A_18, %scan3A_15 : i32
      %get3A = arith.index_cast %add3A_19 : i32 to index
      %get3A_20 = arith.constant 0 : index
      %get3A_21 = tpu.vector_load %arg15[%get3A, %get3A_20] {strides = array<i32>} : memref<808x16xi32, #tpu.memory_space<vmem>>, vector<1x16xi32>,
      %get3A_22 = vector.shape_cast %get3A_21 : vector<1x16xi32> to vector<16xi32>
      %slice3A = vector.extract_strided_slice %get3A_22 {offsets = [0], sizes = [1], strides = [1]} : vector<16xi32> to vector<1xi32>
      %squeeze3A = vector.extract %slice3A[0] : i32 from vector<1xi32>
      %add3A_23 = arith.constant 1 : i32
      %add3A_24 = arith.addi %add3A_19, %add3A_23 : i32
      %get3A_25 = arith.index_cast %add3A_24 : i32 to index
      %get3A_26 = arith.constant 0 : index
      %get3A_27 = tpu.vector_load %arg15[%get3A_25, %get3A_26] {strides = array<i32>} : memref<808x16xi32, #tpu.memory_space<vmem>>, vector<1x16xi32>,
      %get3A_28 = vector.shape_cast %get3A_27 : vector<1x16xi32> to vector<16xi32>
      %slice3A_29 = vector.extract_strided_slice %get3A_28 {offsets = [0], sizes = [1], strides = [1]} : vector<16xi32> to vector<1xi32>
      %squeeze3A_30 = vector.extract %slice3A_29[0] : i32 from vector<1xi32>
      %mul3A_31 = arith.constant 5000 : i32
      %mul3A_32 = arith.muli %add3A, %mul3A_31 : i32
      %mul3A_33 = arith.constant 200 : i32
      %mul3A_34 = arith.muli %scan3A_15, %mul3A_33 : i32
      %add3A_35 = arith.addi %mul3A_32, %mul3A_34 : i32
      "tpu.region"() ({
        %run_scoped3A = tpu.sem_alloc : memref<!tpu.dma_semaphore, #tpu.memory_space<semaphore_mem>>
        %dma_start3A = arith.constant 0 : i32
        %dma_start3A_123 = arith.constant 0 : i32
        %dma_start3A_124 = tpu.memref_slice %arg8[%dma_start3A, %dma_start3A_123] : memref<384x128xf32, #tpu.memory_space<vmem_shared>> -> memref<200x128xf32, #tpu.memory_space<vmem_shared>>
        %dma_start3A_125 = arith.constant 0 : i32
        %dma_start3A_126 = arith.constant 0 : i32
        %dma_start3A_127 = tpu.memref_slice %arg8[%dma_start3A_125, %dma_start3A_126] : memref<384x128xf32, #tpu.memory_space<vmem_shared>> -> memref<200x128xf32, #tpu.memory_space<vmem_shared>>
        tpu.enqueue_dma source(%dma_start3A_127 : memref<200x128xf32, #tpu.memory_space<vmem_shared>>) target(%arg7 : memref<200x128xf32, #tpu.memory_space<vmem>>) target_semaphore(%run_scoped3A : memref<!tpu.dma_semaphore, #tpu.memory_space<semaphore_mem>>)
        %dma_wait3A = arith.constant 0 : i32
        %dma_wait3A_128 = arith.constant 0 : i32
        %dma_wait3A_129 = tpu.memref_slice %arg8[%dma_wait3A, %dma_wait3A_128] : memref<384x128xf32, #tpu.memory_space<vmem_shared>> -> memref<200x128xf32, #tpu.memory_space<vmem_shared>>
        %dma_wait3A_130 = arith.constant 0 : i32
        %dma_wait3A_131 = arith.constant 0 : i32
        %dma_wait3A_132 = tpu.memref_slice %arg8[%dma_wait3A_130, %dma_wait3A_131] : memref<384x128xf32, #tpu.memory_space<vmem_shared>> -> memref<200x128xf32, #tpu.memory_space<vmem_shared>>
        tpu.wait_dma2 semaphore(%run_scoped3A : memref<!tpu.dma_semaphore, #tpu.memory_space<semaphore_mem>>) src(%dma_wait3A_132 : memref<200x128xf32, #tpu.memory_space<vmem_shared>>) dst(%arg7 : memref<200x128xf32, #tpu.memory_space<vmem>>)
        tpu.yield
      }) : () -> ()
      %jit3A = arith.constant 128 : i32
      %div3A = arith.divsi %squeeze3A, %jit3A : i32
      %sign3A = arith.constant 0 : i32
      %sign3A_36 = arith.cmpi sgt, %squeeze3A, %sign3A : i32
      %sign3A_37 = arith.extui %sign3A_36 : i1 to i32
      %sign3A_38 = arith.constant 0 : i32
      %sign3A_39 = arith.cmpi slt, %squeeze3A, %sign3A_38 : i32
      %sign3A_40 = arith.extui %sign3A_39 : i1 to i32
      %sign3A_41 = arith.subi %sign3A_37, %sign3A_40 : i32
      %sign3A_42 = arith.constant 0 : i32
      %sign3A_43 = arith.cmpi sgt, %jit3A, %sign3A_42 : i32
      %sign3A_44 = arith.extui %sign3A_43 : i1 to i32
      %sign3A_45 = arith.constant 0 : i32
      %sign3A_46 = arith.cmpi slt, %jit3A, %sign3A_45 : i32
      %sign3A_47 = arith.extui %sign3A_46 : i1 to i32
      %sign3A_48 = arith.subi %sign3A_44, %sign3A_47 : i32
      %ne3A = arith.cmpi ne, %sign3A_41, %sign3A_48 : i32
      %rem3A = arith.remsi %squeeze3A, %jit3A : i32
      %ne3A_49 = arith.constant 0 : i32
      %ne3A_50 = arith.cmpi ne, %rem3A, %ne3A_49 : i32
      %and3A = arith.andi %ne3A, %ne3A_50 : i1
      %sub3A = arith.constant 1 : i32
      %sub3A_51 = arith.subi %div3A, %sub3A : i32
      %select_n3A = arith.select %and3A, %sub3A_51, %div3A : i32
      %mul3A_52 = arith.constant 128 : i32
      %mul3A_53 = arith.muli %select_n3A, %mul3A_52 : i32
      %sub3A_54 = arith.subi %squeeze3A_30, %mul3A_53 : i32
      %add3A_55 = arith.constant 128 : i32
      %add3A_56 = arith.addi %sub3A_54, %add3A_55 : i32
      %sub3A_57 = arith.constant 1 : i32
      %sub3A_58 = arith.subi %add3A_56, %sub3A_57 : i32
      %jit3A_59 = arith.constant 128 : i32
      %div3A_60 = arith.divsi %sub3A_58, %jit3A_59 : i32
      %sign3A_61 = arith.constant 0 : i32
      %sign3A_62 = arith.cmpi sgt, %sub3A_58, %sign3A_61 : i32
      %sign3A_63 = arith.extui %sign3A_62 : i1 to i32
      %sign3A_64 = arith.constant 0 : i32
      %sign3A_65 = arith.cmpi slt, %sub3A_58, %sign3A_64 : i32
      %sign3A_66 = arith.extui %sign3A_65 : i1 to i32
      %sign3A_67 = arith.subi %sign3A_63, %sign3A_66 : i32
      %sign3A_68 = arith.constant 0 : i32
      %sign3A_69 = arith.cmpi sgt, %jit3A_59, %sign3A_68 : i32
      %sign3A_70 = arith.extui %sign3A_69 : i1 to i32
      %sign3A_71 = arith.constant 0 : i32
      %sign3A_72 = arith.cmpi slt, %jit3A_59, %sign3A_71 : i32
      %sign3A_73 = arith.extui %sign3A_72 : i1 to i32
      %sign3A_74 = arith.subi %sign3A_70, %sign3A_73 : i32
      %ne3A_75 = arith.cmpi ne, %sign3A_67, %sign3A_74 : i32
      %rem3A_76 = arith.remsi %sub3A_58, %jit3A_59 : i32
      %ne3A_77 = arith.constant 0 : i32
      %ne3A_78 = arith.cmpi ne, %rem3A_76, %ne3A_77 : i32
      %and3A_79 = arith.andi %ne3A_75, %ne3A_78 : i1
      %sub3A_80 = arith.constant 1 : i32
      %sub3A_81 = arith.subi %div3A_60, %sub3A_80 : i32
      %select_n3A_82 = arith.select %and3A_79, %sub3A_81, %div3A_60 : i32
      %gt3A = arith.constant 0 : i32
      %gt3A_83 = arith.cmpi sgt, %select_n3A_82, %gt3A : i32
      %convert_element_type3A = arith.extui %gt3A_83 : i1 to i32
      %cond3A = arith.constant 0 : i32
      %cond3A_84 = arith.cmpi ne, %convert_element_type3A, %cond3A : i32
      scf.if %cond3A_84 {
        "tpu.region"() ({
          %run_scoped3A = tpu.sem_alloc : memref<!tpu.dma_semaphore, #tpu.memory_space<semaphore_mem>>
          %dma_start3A_125 = tpu.memref_slice %arg3[%mul3A_53] : memref<160128xi32, #tpu.memory_space<hbm>> -> memref<128xi32, #tpu.memory_space<hbm>>
          %dma_start3A_126 = tpu.memref_slice %arg3[%mul3A_53] : memref<160128xi32, #tpu.memory_space<hbm>> -> memref<128xi32, #tpu.memory_space<hbm>>
          tpu.enqueue_dma source(%dma_start3A_126 : memref<128xi32, #tpu.memory_space<hbm>>) target(%arg10 : memref<128xi32, #tpu.memory_space<vmem>>) target_semaphore(%run_scoped3A : memref<!tpu.dma_semaphore, #tpu.memory_space<semaphore_mem>>)
          %dma_wait3A = tpu.memref_slice %arg3[%mul3A_53] : memref<160128xi32, #tpu.memory_space<hbm>> -> memref<128xi32, #tpu.memory_space<hbm>>
          %dma_wait3A_127 = tpu.memref_slice %arg3[%mul3A_53] : memref<160128xi32, #tpu.memory_space<hbm>> -> memref<128xi32, #tpu.memory_space<hbm>>
          tpu.wait_dma2 semaphore(%run_scoped3A : memref<!tpu.dma_semaphore, #tpu.memory_space<semaphore_mem>>) src(%dma_wait3A_127 : memref<128xi32, #tpu.memory_space<hbm>>) dst(%arg10 : memref<128xi32, #tpu.memory_space<vmem>>)
          tpu.yield
        }) : () -> ()
        "tpu.region"() ({
          %run_scoped3A = tpu.sem_alloc : memref<!tpu.dma_semaphore, #tpu.memory_space<semaphore_mem>>
          %dma_start3A_125 = arith.constant 0 : i32
          %dma_start3A_126 = tpu.memref_slice %arg4[%mul3A_53, %dma_start3A_125] : memref<160128x16xi32, #tpu.memory_space<hbm>> -> memref<128x16xi32, #tpu.memory_space<hbm>>
          %dma_start3A_127 = arith.constant 0 : i32
          %dma_start3A_128 = tpu.memref_slice %arg4[%mul3A_53, %dma_start3A_127] : memref<160128x16xi32, #tpu.memory_space<hbm>> -> memref<128x16xi32, #tpu.memory_space<hbm>>
          tpu.enqueue_dma source(%dma_start3A_128 : memref<128x16xi32, #tpu.memory_space<hbm>>) target(%arg11 : memref<128x16xi32, #tpu.memory_space<vmem>>) target_semaphore(%run_scoped3A : memref<!tpu.dma_semaphore, #tpu.memory_space<semaphore_mem>>)
          %dma_wait3A = arith.constant 0 : i32
          %dma_wait3A_129 = tpu.memref_slice %arg4[%mul3A_53, %dma_wait3A] : memref<160128x16xi32, #tpu.memory_space<hbm>> -> memref<128x16xi32, #tpu.memory_space<hbm>>
          %dma_wait3A_130 = arith.constant 0 : i32
          %dma_wait3A_131 = tpu.memref_slice %arg4[%mul3A_53, %dma_wait3A_130] : memref<160128x16xi32, #tpu.memory_space<hbm>> -> memref<128x16xi32, #tpu.memory_space<hbm>>
          tpu.wait_dma2 semaphore(%run_scoped3A : memref<!tpu.dma_semaphore, #tpu.memory_space<semaphore_mem>>) src(%dma_wait3A_131 : memref<128x16xi32, #tpu.memory_space<hbm>>) dst(%arg11 : memref<128x16xi32, #tpu.memory_space<vmem>>)
          tpu.yield
        }) : () -> ()
        %dma_start3A = arith.constant 0 : i32
        %dma_start3A_123 = arith.constant 0 : i32
        %dma_start3A_124 = tpu.memref_slice %arg2[%dma_start3A, %dma_start3A_123] : memref<160000x128xf32, #tpu.memory_space<hbm>> -> memref<160000x128xf32, #tpu.memory_space<hbm>>
        tpu.enqueue_indirect_dma source(%dma_start3A_124 : memref<160000x128xf32, #tpu.memory_space<hbm>>) target(%arg9 : memref<128x128xf32, #tpu.memory_space<vmem>>) offsets(%arg10 : memref<128xi32, #tpu.memory_space<vmem>>) semaphore(%arg16 : memref<!tpu.dma_semaphore, #tpu.memory_space<semaphore_mem>>)
      } else {
      }
      %add3A_85 = arith.constant 1 : i32
      %add3A_86 = arith.addi %select_n3A_82, %add3A_85 : i32
      %jit3A_87 = arith.constant 2 : i32
      %div3A_88 = arith.divsi %add3A_86, %jit3A_87 : i32
      %sign3A_89 = arith.constant 0 : i32
      %sign3A_90 = arith.cmpi sgt, %add3A_86, %sign3A_89 : i32
      %sign3A_91 = arith.extui %sign3A_90 : i1 to i32
      %sign3A_92 = arith.constant 0 : i32
      %sign3A_93 = arith.cmpi slt, %add3A_86, %sign3A_92 : i32
      %sign3A_94 = arith.extui %sign3A_93 : i1 to i32
      %sign3A_95 = arith.subi %sign3A_91, %sign3A_94 : i32
      %sign3A_96 = arith.constant 0 : i32
      %sign3A_97 = arith.cmpi sgt, %jit3A_87, %sign3A_96 : i32
      %sign3A_98 = arith.extui %sign3A_97 : i1 to i32
      %sign3A_99 = arith.constant 0 : i32
      %sign3A_100 = arith.cmpi slt, %jit3A_87, %sign3A_99 : i32
      %sign3A_101 = arith.extui %sign3A_100 : i1 to i32
      %sign3A_102 = arith.subi %sign3A_98, %sign3A_101 : i32
      %ne3A_103 = arith.cmpi ne, %sign3A_95, %sign3A_102 : i32
      %rem3A_104 = arith.remsi %add3A_86, %jit3A_87 : i32
      %ne3A_105 = arith.constant 0 : i32
      %ne3A_106 = arith.cmpi ne, %rem3A_104, %ne3A_105 : i32
      %and3A_107 = arith.andi %ne3A_103, %ne3A_106 : i1
      %sub3A_108 = arith.constant 1 : i32
      %sub3A_109 = arith.subi %div3A_88, %sub3A_108 : i32
      %select_n3A_110 = arith.select %and3A_107, %sub3A_109, %div3A_88 : i32
      %while3A = arith.constant 0 : i32
      %while3A_111 = arith.constant 0 : i32
      %while3A_112 = arith.subi %select_n3A_110, %while3A : i32
      %while3A_113 = arith.addi %while3A, %while3A_112 : i32
      %while3A_114 = arith.constant 1 : i32
      %while3A_115 = arith.divsi %while3A_112, %while3A_114 : i32
      %while3A_116 = arith.muli %while3A_115, %while3A_114 : i32
      %while3A_117 = arith.addi %while3A, %while3A_116 : i32
      %while3A_118 = arith.constant 1 : i32
      %while3A_119 = scf.for %while3A_123 = %while3A to %while3A_117 step %while3A_118 iter_args(%while3A_124 = %while3A_111) -> (i32)  : i32 {
        %mul3A_125 = arith.constant 2 : i32
        %mul3A_126 = arith.muli %mul3A_125, %while3A_123 : i32
        %mul3A_127 = arith.constant 128 : i32
        %mul3A_128 = arith.muli %mul3A_126, %mul3A_127 : i32
        %add3A_129 = arith.addi %mul3A_53, %mul3A_128 : i32
        %dma_wait3A = arith.constant 0 : i32
        %dma_wait3A_130 = arith.constant 0 : i32
        %dma_wait3A_131 = tpu.memref_slice %arg2[%dma_wait3A, %dma_wait3A_130] : memref<160000x128xf32, #tpu.memory_space<hbm>> -> memref<160000x128xf32, #tpu.memory_space<hbm>>
        tpu.wait_indirect_dma semaphore(%arg16 : memref<!tpu.dma_semaphore, #tpu.memory_space<semaphore_mem>>) src(%dma_wait3A_131 : memref<160000x128xf32, #tpu.memory_space<hbm>>) dst(%arg9 : memref<128x128xf32, #tpu.memory_space<vmem>>)
        %add3A_132 = arith.constant 1 : i32
        %add3A_133 = arith.addi %mul3A_126, %add3A_132 : i32
        %lt3A = arith.cmpi slt, %add3A_133, %select_n3A_82 : i32
        %convert_element_type3A_134 = arith.extui %lt3A : i1 to i32
        %cond3A_135 = arith.constant 0 : i32
        %cond3A_136 = arith.cmpi ne, %convert_element_type3A_134, %cond3A_135 : i32
        scf.if %cond3A_136 {
          %add3A_159 = arith.constant 128 : i32
          %add3A_160 = arith.addi %add3A_129, %add3A_159 : i32
          "tpu.region"() ({
            %run_scoped3A = tpu.sem_alloc : memref<!tpu.dma_semaphore, #tpu.memory_space<semaphore_mem>>
            %dma_start3A_163 = tpu.memref_slice %arg3[%add3A_160] : memref<160128xi32, #tpu.memory_space<hbm>> -> memref<128xi32, #tpu.memory_space<hbm>>
            %dma_start3A_164 = tpu.memref_slice %arg3[%add3A_160] : memref<160128xi32, #tpu.memory_space<hbm>> -> memref<128xi32, #tpu.memory_space<hbm>>
            tpu.enqueue_dma source(%dma_start3A_164 : memref<128xi32, #tpu.memory_space<hbm>>) target(%arg13 : memref<128xi32, #tpu.memory_space<vmem>>) target_semaphore(%run_scoped3A : memref<!tpu.dma_semaphore, #tpu.memory_space<semaphore_mem>>)
            %dma_wait3A_165 = tpu.memref_slice %arg3[%add3A_160] : memref<160128xi32, #tpu.memory_space<hbm>> -> memref<128xi32, #tpu.memory_space<hbm>>
            %dma_wait3A_166 = tpu.memref_slice %arg3[%add3A_160] : memref<160128xi32, #tpu.memory_space<hbm>> -> memref<128xi32, #tpu.memory_space<hbm>>
            tpu.wait_dma2 semaphore(%run_scoped3A : memref<!tpu.dma_semaphore, #tpu.memory_space<semaphore_mem>>) src(%dma_wait3A_166 : memref<128xi32, #tpu.memory_space<hbm>>) dst(%arg13 : memref<128xi32, #tpu.memory_space<vmem>>)
            tpu.yield
          }) : () -> ()
          "tpu.region"() ({
            %run_scoped3A = tpu.sem_alloc : memref<!tpu.dma_semaphore, #tpu.memory_space<semaphore_mem>>
            %dma_start3A_163 = arith.constant 0 : i32
            %dma_start3A_164 = tpu.memref_slice %arg4[%add3A_160, %dma_start3A_163] : memref<160128x16xi32, #tpu.memory_space<hbm>> -> memref<128x16xi32, #tpu.memory_space<hbm>>
            %dma_start3A_165 = arith.constant 0 : i32
            %dma_start3A_166 = tpu.memref_slice %arg4[%add3A_160, %dma_start3A_165] : memref<160128x16xi32, #tpu.memory_space<hbm>> -> memref<128x16xi32, #tpu.memory_space<hbm>>
            tpu.enqueue_dma source(%dma_start3A_166 : memref<128x16xi32, #tpu.memory_space<hbm>>) target(%arg14 : memref<128x16xi32, #tpu.memory_space<vmem>>) target_semaphore(%run_scoped3A : memref<!tpu.dma_semaphore, #tpu.memory_space<semaphore_mem>>)
            %dma_wait3A_167 = arith.constant 0 : i32
            %dma_wait3A_168 = tpu.memref_slice %arg4[%add3A_160, %dma_wait3A_167] : memref<160128x16xi32, #tpu.memory_space<hbm>> -> memref<128x16xi32, #tpu.memory_space<hbm>>
            %dma_wait3A_169 = arith.constant 0 : i32
            %dma_wait3A_170 = tpu.memref_slice %arg4[%add3A_160, %dma_wait3A_169] : memref<160128x16xi32, #tpu.memory_space<hbm>> -> memref<128x16xi32, #tpu.memory_space<hbm>>
            tpu.wait_dma2 semaphore(%run_scoped3A : memref<!tpu.dma_semaphore, #tpu.memory_space<semaphore_mem>>) src(%dma_wait3A_170 : memref<128x16xi32, #tpu.memory_space<hbm>>) dst(%arg14 : memref<128x16xi32, #tpu.memory_space<vmem>>)
            tpu.yield
          }) : () -> ()
          %dma_start3A = arith.constant 0 : i32
          %dma_start3A_161 = arith.constant 0 : i32
          %dma_start3A_162 = tpu.memref_slice %arg2[%dma_start3A, %dma_start3A_161] : memref<160000x128xf32, #tpu.memory_space<hbm>> -> memref<160000x128xf32, #tpu.memory_space<hbm>>
          tpu.enqueue_indirect_dma source(%dma_start3A_162 : memref<160000x128xf32, #tpu.memory_space<hbm>>) target(%arg12 : memref<128x128xf32, #tpu.memory_space<vmem>>) offsets(%arg13 : memref<128xi32, #tpu.memory_space<vmem>>) semaphore(%arg17 : memref<!tpu.dma_semaphore, #tpu.memory_space<semaphore_mem>>)
        } else {
        }
        %sub3A_137 = arith.subi %squeeze3A, %add3A_129 : i32
        %max3A = arith.constant 0 : i32
        %max3A_138 = arith.maxsi %sub3A_137, %max3A : i32
        %sub3A_139 = arith.subi %squeeze3A_30, %add3A_129 : i32
        %min3A = arith.constant 128 : i32
        %min3A_140 = arith.minsi %sub3A_139, %min3A : i32
        %while3A_141 = arith.constant 0 : i32
        %while3A_142 = arith.subi %min3A_140, %max3A_138 : i32
        %while3A_143 = arith.addi %max3A_138, %while3A_142 : i32
        %while3A_144 = arith.constant 1 : i32
        %while3A_145 = arith.divsi %while3A_142, %while3A_144 : i32
        %while3A_146 = arith.muli %while3A_145, %while3A_144 : i32
        %while3A_147 = arith.addi %max3A_138, %while3A_146 : i32
        %while3A_148 = arith.constant 1 : i32
        %while3A_149 = scf.for %while3A_159 = %max3A_138 to %while3A_147 step %while3A_148 iter_args(%while3A_160 = %while3A_141) -> (i32)  : i32 {
          %get3A_161 = arith.index_cast %while3A_159 : i32 to index
          %get3A_162 = arith.constant 0 : index
          %get3A_163 = tpu.vector_load %arg11[%get3A_161, %get3A_162] {strides = array<i32>} : memref<128x16xi32, #tpu.memory_space<vmem>>, vector<1x16xi32>,
          %get3A_164 = vector.shape_cast %get3A_163 : vector<1x16xi32> to vector<16xi32>
          %slice3A_165 = vector.extract_strided_slice %get3A_164 {offsets = [0], sizes = [1], strides = [1]} : vector<16xi32> to vector<1xi32>
          %squeeze3A_166 = vector.extract %slice3A_165[0] : i32 from vector<1xi32>
          %sub3A_167 = arith.subi %squeeze3A_166, %add3A_35 : i32
          %get3A_168 = arith.index_cast %sub3A_167 : i32 to index
          %get3A_169 = arith.constant 0 : index
          %get3A_170 = tpu.vector_load %arg7[%get3A_168, %get3A_169] {strides = array<i32>} : memref<200x128xf32, #tpu.memory_space<vmem>>, vector<1x16xf32>,
          %get3A_171 = vector.shape_cast %get3A_170 : vector<1x16xf32> to vector<16xf32>
          %get3A_172 = arith.index_cast %while3A_159 : i32 to index
          %get3A_173 = arith.constant 0 : index
          %get3A_174 = tpu.vector_load %arg9[%get3A_172, %get3A_173] {strides = array<i32>} : memref<128x128xf32, #tpu.memory_space<vmem>>, vector<1x16xf32>,
          %get3A_175 = vector.shape_cast %get3A_174 : vector<1x16xf32> to vector<16xf32>
          %add3A_176 = arith.addf %get3A_171, %get3A_175 : vector<16xf32>
          %swap3A = arith.index_cast %sub3A_167 : i32 to index
          %swap3A_177 = arith.constant 0 : index
          %swap3A_178 = tpu.vector_load %arg7[%swap3A, %swap3A_177] {strides = array<i32>} : memref<200x128xf32, #tpu.memory_space<vmem>>, vector<1x16xf32>,
          %swap3A_179 = vector.shape_cast %swap3A_178 : vector<1x16xf32> to vector<16xf32>
          %swap3A_180 = vector.shape_cast %add3A_176 : vector<16xf32> to vector<1x16xf32>
          tpu.vector_store %arg7[%swap3A, %swap3A_177], %swap3A_180 {strides = array<i32>} : memref<200x128xf32, #tpu.memory_space<vmem>>, vector<1x16xf32>,
          %get3A_181 = arith.index_cast %sub3A_167 : i32 to index
          %get3A_182 = arith.constant 16 : index
          %get3A_183 = tpu.vector_load %arg7[%get3A_181, %get3A_182] {strides = array<i32>} : memref<200x128xf32, #tpu.memory_space<vmem>>, vector<1x16xf32>,
          %get3A_184 = vector.shape_cast %get3A_183 : vector<1x16xf32> to vector<16xf32>
          %get3A_185 = arith.index_cast %while3A_159 : i32 to index
          %get3A_186 = arith.constant 16 : index
          %get3A_187 = tpu.vector_load %arg9[%get3A_185, %get3A_186] {strides = array<i32>} : memref<128x128xf32, #tpu.memory_space<vmem>>, vector<1x16xf32>,
          %get3A_188 = vector.shape_cast %get3A_187 : vector<1x16xf32> to vector<16xf32>
          %add3A_189 = arith.addf %get3A_184, %get3A_188 : vector<16xf32>
          %swap3A_190 = arith.index_cast %sub3A_167 : i32 to index
          %swap3A_191 = arith.constant 16 : index
          %swap3A_192 = tpu.vector_load %arg7[%swap3A_190, %swap3A_191] {strides = array<i32>} : memref<200x128xf32, #tpu.memory_space<vmem>>, vector<1x16xf32>,
          %swap3A_193 = vector.shape_cast %swap3A_192 : vector<1x16xf32> to vector<16xf32>
          %swap3A_194 = vector.shape_cast %add3A_189 : vector<16xf32> to vector<1x16xf32>
          tpu.vector_store %arg7[%swap3A_190, %swap3A_191], %swap3A_194 {strides = array<i32>} : memref<200x128xf32, #tpu.memory_space<vmem>>, vector<1x16xf32>,
          %get3A_195 = arith.index_cast %sub3A_167 : i32 to index
          %get3A_196 = arith.constant 32 : index
          %get3A_197 = tpu.vector_load %arg7[%get3A_195, %get3A_196] {strides = array<i32>} : memref<200x128xf32, #tpu.memory_space<vmem>>, vector<1x16xf32>,
          %get3A_198 = vector.shape_cast %get3A_197 : vector<1x16xf32> to vector<16xf32>
          %get3A_199 = arith.index_cast %while3A_159 : i32 to index
          %get3A_200 = arith.constant 32 : index
          %get3A_201 = tpu.vector_load %arg9[%get3A_199, %get3A_200] {strides = array<i32>} : memref<128x128xf32, #tpu.memory_space<vmem>>, vector<1x16xf32>,
          %get3A_202 = vector.shape_cast %get3A_201 : vector<1x16xf32> to vector<16xf32>
          %add3A_203 = arith.addf %get3A_198, %get3A_202 : vector<16xf32>
          %swap3A_204 = arith.index_cast %sub3A_167 : i32 to index
          %swap3A_205 = arith.constant 32 : index
          %swap3A_206 = tpu.vector_load %arg7[%swap3A_204, %swap3A_205] {strides = array<i32>} : memref<200x128xf32, #tpu.memory_space<vmem>>, vector<1x16xf32>,
          %swap3A_207 = vector.shape_cast %swap3A_206 : vector<1x16xf32> to vector<16xf32>
          %swap3A_208 = vector.shape_cast %add3A_203 : vector<16xf32> to vector<1x16xf32>
          tpu.vector_store %arg7[%swap3A_204, %swap3A_205], %swap3A_208 {strides = array<i32>} : memref<200x128xf32, #tpu.memory_space<vmem>>, vector<1x16xf32>,
          %get3A_209 = arith.index_cast %sub3A_167 : i32 to index
          %get3A_210 = arith.constant 48 : index
          %get3A_211 = tpu.vector_load %arg7[%get3A_209, %get3A_210] {strides = array<i32>} : memref<200x128xf32, #tpu.memory_space<vmem>>, vector<1x16xf32>,
          %get3A_212 = vector.shape_cast %get3A_211 : vector<1x16xf32> to vector<16xf32>
          %get3A_213 = arith.index_cast %while3A_159 : i32 to index
          %get3A_214 = arith.constant 48 : index
          %get3A_215 = tpu.vector_load %arg9[%get3A_213, %get3A_214] {strides = array<i32>} : memref<128x128xf32, #tpu.memory_space<vmem>>, vector<1x16xf32>,
          %get3A_216 = vector.shape_cast %get3A_215 : vector<1x16xf32> to vector<16xf32>
          %add3A_217 = arith.addf %get3A_212, %get3A_216 : vector<16xf32>
          %swap3A_218 = arith.index_cast %sub3A_167 : i32 to index
          %swap3A_219 = arith.constant 48 : index
          %swap3A_220 = tpu.vector_load %arg7[%swap3A_218, %swap3A_219] {strides = array<i32>} : memref<200x128xf32, #tpu.memory_space<vmem>>, vector<1x16xf32>,
          %swap3A_221 = vector.shape_cast %swap3A_220 : vector<1x16xf32> to vector<16xf32>
          %swap3A_222 = vector.shape_cast %add3A_217 : vector<16xf32> to vector<1x16xf32>
          tpu.vector_store %arg7[%swap3A_218, %swap3A_219], %swap3A_222 {strides = array<i32>} : memref<200x128xf32, #tpu.memory_space<vmem>>, vector<1x16xf32>,
          %get3A_223 = arith.index_cast %sub3A_167 : i32 to index
          %get3A_224 = arith.constant 64 : index
          %get3A_225 = tpu.vector_load %arg7[%get3A_223, %get3A_224] {strides = array<i32>} : memref<200x128xf32, #tpu.memory_space<vmem>>, vector<1x16xf32>,
          %get3A_226 = vector.shape_cast %get3A_225 : vector<1x16xf32> to vector<16xf32>
          %get3A_227 = arith.index_cast %while3A_159 : i32 to index
          %get3A_228 = arith.constant 64 : index
          %get3A_229 = tpu.vector_load %arg9[%get3A_227, %get3A_228] {strides = array<i32>} : memref<128x128xf32, #tpu.memory_space<vmem>>, vector<1x16xf32>,
          %get3A_230 = vector.shape_cast %get3A_229 : vector<1x16xf32> to vector<16xf32>
          %add3A_231 = arith.addf %get3A_226, %get3A_230 : vector<16xf32>
          %swap3A_232 = arith.index_cast %sub3A_167 : i32 to index
          %swap3A_233 = arith.constant 64 : index
          %swap3A_234 = tpu.vector_load %arg7[%swap3A_232, %swap3A_233] {strides = array<i32>} : memref<200x128xf32, #tpu.memory_space<vmem>>, vector<1x16xf32>,
          %swap3A_235 = vector.shape_cast %swap3A_234 : vector<1x16xf32> to vector<16xf32>
          %swap3A_236 = vector.shape_cast %add3A_231 : vector<16xf32> to vector<1x16xf32>
          tpu.vector_store %arg7[%swap3A_232, %swap3A_233], %swap3A_236 {strides = array<i32>} : memref<200x128xf32, #tpu.memory_space<vmem>>, vector<1x16xf32>,
          %get3A_237 = arith.index_cast %sub3A_167 : i32 to index
          %get3A_238 = arith.constant 80 : index
          %get3A_239 = tpu.vector_load %arg7[%get3A_237, %get3A_238] {strides = array<i32>} : memref<200x128xf32, #tpu.memory_space<vmem>>, vector<1x16xf32>,
          %get3A_240 = vector.shape_cast %get3A_239 : vector<1x16xf32> to vector<16xf32>
          %get3A_241 = arith.index_cast %while3A_159 : i32 to index
          %get3A_242 = arith.constant 80 : index
          %get3A_243 = tpu.vector_load %arg9[%get3A_241, %get3A_242] {strides = array<i32>} : memref<128x128xf32, #tpu.memory_space<vmem>>, vector<1x16xf32>,
          %get3A_244 = vector.shape_cast %get3A_243 : vector<1x16xf32> to vector<16xf32>
          %add3A_245 = arith.addf %get3A_240, %get3A_244 : vector<16xf32>
          %swap3A_246 = arith.index_cast %sub3A_167 : i32 to index
          %swap3A_247 = arith.constant 80 : index
          %swap3A_248 = tpu.vector_load %arg7[%swap3A_246, %swap3A_247] {strides = array<i32>} : memref<200x128xf32, #tpu.memory_space<vmem>>, vector<1x16xf32>,
          %swap3A_249 = vector.shape_cast %swap3A_248 : vector<1x16xf32> to vector<16xf32>
          %swap3A_250 = vector.shape_cast %add3A_245 : vector<16xf32> to vector<1x16xf32>
          tpu.vector_store %arg7[%swap3A_246, %swap3A_247], %swap3A_250 {strides = array<i32>} : memref<200x128xf32, #tpu.memory_space<vmem>>, vector<1x16xf32>,
          %get3A_251 = arith.index_cast %sub3A_167 : i32 to index
          %get3A_252 = arith.constant 96 : index
          %get3A_253 = tpu.vector_load %arg7[%get3A_251, %get3A_252] {strides = array<i32>} : memref<200x128xf32, #tpu.memory_space<vmem>>, vector<1x16xf32>,
          %get3A_254 = vector.shape_cast %get3A_253 : vector<1x16xf32> to vector<16xf32>
          %get3A_255 = arith.index_cast %while3A_159 : i32 to index
          %get3A_256 = arith.constant 96 : index
          %get3A_257 = tpu.vector_load %arg9[%get3A_255, %get3A_256] {strides = array<i32>} : memref<128x128xf32, #tpu.memory_space<vmem>>, vector<1x16xf32>,
          %get3A_258 = vector.shape_cast %get3A_257 : vector<1x16xf32> to vector<16xf32>
          %add3A_259 = arith.addf %get3A_254, %get3A_258 : vector<16xf32>
          %swap3A_260 = arith.index_cast %sub3A_167 : i32 to index
          %swap3A_261 = arith.constant 96 : index
          %swap3A_262 = tpu.vector_load %arg7[%swap3A_260, %swap3A_261] {strides = array<i32>} : memref<200x128xf32, #tpu.memory_space<vmem>>, vector<1x16xf32>,
          %swap3A_263 = vector.shape_cast %swap3A_262 : vector<1x16xf32> to vector<16xf32>
          %swap3A_264 = vector.shape_cast %add3A_259 : vector<16xf32> to vector<1x16xf32>
          tpu.vector_store %arg7[%swap3A_260, %swap3A_261], %swap3A_264 {strides = array<i32>} : memref<200x128xf32, #tpu.memory_space<vmem>>, vector<1x16xf32>,
          %get3A_265 = arith.index_cast %sub3A_167 : i32 to index
          %get3A_266 = arith.constant 112 : index
          %get3A_267 = tpu.vector_load %arg7[%get3A_265, %get3A_266] {strides = array<i32>} : memref<200x128xf32, #tpu.memory_space<vmem>>, vector<1x16xf32>,
          %get3A_268 = vector.shape_cast %get3A_267 : vector<1x16xf32> to vector<16xf32>
          %get3A_269 = arith.index_cast %while3A_159 : i32 to index
          %get3A_270 = arith.constant 112 : index
          %get3A_271 = tpu.vector_load %arg9[%get3A_269, %get3A_270] {strides = array<i32>} : memref<128x128xf32, #tpu.memory_space<vmem>>, vector<1x16xf32>,
          %get3A_272 = vector.shape_cast %get3A_271 : vector<1x16xf32> to vector<16xf32>
          %add3A_273 = arith.addf %get3A_268, %get3A_272 : vector<16xf32>
          %swap3A_274 = arith.index_cast %sub3A_167 : i32 to index
          %swap3A_275 = arith.constant 112 : index
          %swap3A_276 = tpu.vector_load %arg7[%swap3A_274, %swap3A_275] {strides = array<i32>} : memref<200x128xf32, #tpu.memory_space<vmem>>, vector<1x16xf32>,
          %swap3A_277 = vector.shape_cast %swap3A_276 : vector<1x16xf32> to vector<16xf32>
          %swap3A_278 = vector.shape_cast %add3A_273 : vector<16xf32> to vector<1x16xf32>
          tpu.vector_store %arg7[%swap3A_274, %swap3A_275], %swap3A_278 {strides = array<i32>} : memref<200x128xf32, #tpu.memory_space<vmem>>, vector<1x16xf32>,
          %while3A_279 = arith.constant 0 : i32
          scf.yield %while3A_279 : i32
        }
        %while3A_150 = arith.constant 1 : i32
        %while3A_151 = scf.for %while3A_159 = %while3A_147 to %while3A_143 step %while3A_150 iter_args(%while3A_160 = %while3A_149) -> (i32)  : i32 {
          %get3A_161 = arith.index_cast %while3A_159 : i32 to index
          %get3A_162 = arith.constant 0 : index
          %get3A_163 = tpu.vector_load %arg11[%get3A_161, %get3A_162] {strides = array<i32>} : memref<128x16xi32, #tpu.memory_space<vmem>>, vector<1x16xi32>,
          %get3A_164 = vector.shape_cast %get3A_163 : vector<1x16xi32> to vector<16xi32>
          %slice3A_165 = vector.extract_strided_slice %get3A_164 {offsets = [0], sizes = [1], strides = [1]} : vector<16xi32> to vector<1xi32>
          %squeeze3A_166 = vector.extract %slice3A_165[0] : i32 from vector<1xi32>
          %sub3A_167 = arith.subi %squeeze3A_166, %add3A_35 : i32
          %get3A_168 = arith.index_cast %sub3A_167 : i32 to index
          %get3A_169 = arith.constant 0 : index
          %get3A_170 = tpu.vector_load %arg7[%get3A_168, %get3A_169] {strides = array<i32>} : memref<200x128xf32, #tpu.memory_space<vmem>>, vector<1x16xf32>,
          %get3A_171 = vector.shape_cast %get3A_170 : vector<1x16xf32> to vector<16xf32>
          %get3A_172 = arith.index_cast %while3A_159 : i32 to index
          %get3A_173 = arith.constant 0 : index
          %get3A_174 = tpu.vector_load %arg9[%get3A_172, %get3A_173] {strides = array<i32>} : memref<128x128xf32, #tpu.memory_space<vmem>>, vector<1x16xf32>,
          %get3A_175 = vector.shape_cast %get3A_174 : vector<1x16xf32> to vector<16xf32>
          %add3A_176 = arith.addf %get3A_171, %get3A_175 : vector<16xf32>
          %swap3A = arith.index_cast %sub3A_167 : i32 to index
          %swap3A_177 = arith.constant 0 : index
          %swap3A_178 = tpu.vector_load %arg7[%swap3A, %swap3A_177] {strides = array<i32>} : memref<200x128xf32, #tpu.memory_space<vmem>>, vector<1x16xf32>,
          %swap3A_179 = vector.shape_cast %swap3A_178 : vector<1x16xf32> to vector<16xf32>
          %swap3A_180 = vector.shape_cast %add3A_176 : vector<16xf32> to vector<1x16xf32>
          tpu.vector_store %arg7[%swap3A, %swap3A_177], %swap3A_180 {strides = array<i32>} : memref<200x128xf32, #tpu.memory_space<vmem>>, vector<1x16xf32>,
          %get3A_181 = arith.index_cast %sub3A_167 : i32 to index
          %get3A_182 = arith.constant 16 : index
          %get3A_183 = tpu.vector_load %arg7[%get3A_181, %get3A_182] {strides = array<i32>} : memref<200x128xf32, #tpu.memory_space<vmem>>, vector<1x16xf32>,
          %get3A_184 = vector.shape_cast %get3A_183 : vector<1x16xf32> to vector<16xf32>
          %get3A_185 = arith.index_cast %while3A_159 : i32 to index
          %get3A_186 = arith.constant 16 : index
          %get3A_187 = tpu.vector_load %arg9[%get3A_185, %get3A_186] {strides = array<i32>} : memref<128x128xf32, #tpu.memory_space<vmem>>, vector<1x16xf32>,
          %get3A_188 = vector.shape_cast %get3A_187 : vector<1x16xf32> to vector<16xf32>
          %add3A_189 = arith.addf %get3A_184, %get3A_188 : vector<16xf32>
          %swap3A_190 = arith.index_cast %sub3A_167 : i32 to index
          %swap3A_191 = arith.constant 16 : index
          %swap3A_192 = tpu.vector_load %arg7[%swap3A_190, %swap3A_191] {strides = array<i32>} : memref<200x128xf32, #tpu.memory_space<vmem>>, vector<1x16xf32>,
          %swap3A_193 = vector.shape_cast %swap3A_192 : vector<1x16xf32> to vector<16xf32>
          %swap3A_194 = vector.shape_cast %add3A_189 : vector<16xf32> to vector<1x16xf32>
          tpu.vector_store %arg7[%swap3A_190, %swap3A_191], %swap3A_194 {strides = array<i32>} : memref<200x128xf32, #tpu.memory_space<vmem>>, vector<1x16xf32>,
          %get3A_195 = arith.index_cast %sub3A_167 : i32 to index
          %get3A_196 = arith.constant 32 : index
          %get3A_197 = tpu.vector_load %arg7[%get3A_195, %get3A_196] {strides = array<i32>} : memref<200x128xf32, #tpu.memory_space<vmem>>, vector<1x16xf32>,
          %get3A_198 = vector.shape_cast %get3A_197 : vector<1x16xf32> to vector<16xf32>
          %get3A_199 = arith.index_cast %while3A_159 : i32 to index
          %get3A_200 = arith.constant 32 : index
          %get3A_201 = tpu.vector_load %arg9[%get3A_199, %get3A_200] {strides = array<i32>} : memref<128x128xf32, #tpu.memory_space<vmem>>, vector<1x16xf32>,
          %get3A_202 = vector.shape_cast %get3A_201 : vector<1x16xf32> to vector<16xf32>
          %add3A_203 = arith.addf %get3A_198, %get3A_202 : vector<16xf32>
          %swap3A_204 = arith.index_cast %sub3A_167 : i32 to index
          %swap3A_205 = arith.constant 32 : index
          %swap3A_206 = tpu.vector_load %arg7[%swap3A_204, %swap3A_205] {strides = array<i32>} : memref<200x128xf32, #tpu.memory_space<vmem>>, vector<1x16xf32>,
          %swap3A_207 = vector.shape_cast %swap3A_206 : vector<1x16xf32> to vector<16xf32>
          %swap3A_208 = vector.shape_cast %add3A_203 : vector<16xf32> to vector<1x16xf32>
          tpu.vector_store %arg7[%swap3A_204, %swap3A_205], %swap3A_208 {strides = array<i32>} : memref<200x128xf32, #tpu.memory_space<vmem>>, vector<1x16xf32>,
          %get3A_209 = arith.index_cast %sub3A_167 : i32 to index
          %get3A_210 = arith.constant 48 : index
          %get3A_211 = tpu.vector_load %arg7[%get3A_209, %get3A_210] {strides = array<i32>} : memref<200x128xf32, #tpu.memory_space<vmem>>, vector<1x16xf32>,
          %get3A_212 = vector.shape_cast %get3A_211 : vector<1x16xf32> to vector<16xf32>
          %get3A_213 = arith.index_cast %while3A_159 : i32 to index
          %get3A_214 = arith.constant 48 : index
          %get3A_215 = tpu.vector_load %arg9[%get3A_213, %get3A_214] {strides = array<i32>} : memref<128x128xf32, #tpu.memory_space<vmem>>, vector<1x16xf32>,
          %get3A_216 = vector.shape_cast %get3A_215 : vector<1x16xf32> to vector<16xf32>
          %add3A_217 = arith.addf %get3A_212, %get3A_216 : vector<16xf32>
          %swap3A_218 = arith.index_cast %sub3A_167 : i32 to index
          %swap3A_219 = arith.constant 48 : index
          %swap3A_220 = tpu.vector_load %arg7[%swap3A_218, %swap3A_219] {strides = array<i32>} : memref<200x128xf32, #tpu.memory_space<vmem>>, vector<1x16xf32>,
          %swap3A_221 = vector.shape_cast %swap3A_220 : vector<1x16xf32> to vector<16xf32>
          %swap3A_222 = vector.shape_cast %add3A_217 : vector<16xf32> to vector<1x16xf32>
          tpu.vector_store %arg7[%swap3A_218, %swap3A_219], %swap3A_222 {strides = array<i32>} : memref<200x128xf32, #tpu.memory_space<vmem>>, vector<1x16xf32>,
          %get3A_223 = arith.index_cast %sub3A_167 : i32 to index
          %get3A_224 = arith.constant 64 : index
          %get3A_225 = tpu.vector_load %arg7[%get3A_223, %get3A_224] {strides = array<i32>} : memref<200x128xf32, #tpu.memory_space<vmem>>, vector<1x16xf32>,
          %get3A_226 = vector.shape_cast %get3A_225 : vector<1x16xf32> to vector<16xf32>
          %get3A_227 = arith.index_cast %while3A_159 : i32 to index
          %get3A_228 = arith.constant 64 : index
          %get3A_229 = tpu.vector_load %arg9[%get3A_227, %get3A_228] {strides = array<i32>} : memref<128x128xf32, #tpu.memory_space<vmem>>, vector<1x16xf32>,
          %get3A_230 = vector.shape_cast %get3A_229 : vector<1x16xf32> to vector<16xf32>
          %add3A_231 = arith.addf %get3A_226, %get3A_230 : vector<16xf32>
          %swap3A_232 = arith.index_cast %sub3A_167 : i32 to index
          %swap3A_233 = arith.constant 64 : index
          %swap3A_234 = tpu.vector_load %arg7[%swap3A_232, %swap3A_233] {strides = array<i32>} : memref<200x128xf32, #tpu.memory_space<vmem>>, vector<1x16xf32>,
          %swap3A_235 = vector.shape_cast %swap3A_234 : vector<1x16xf32> to vector<16xf32>
          %swap3A_236 = vector.shape_cast %add3A_231 : vector<16xf32> to vector<1x16xf32>
          tpu.vector_store %arg7[%swap3A_232, %swap3A_233], %swap3A_236 {strides = array<i32>} : memref<200x128xf32, #tpu.memory_space<vmem>>, vector<1x16xf32>,
          %get3A_237 = arith.index_cast %sub3A_167 : i32 to index
          %get3A_238 = arith.constant 80 : index
          %get3A_239 = tpu.vector_load %arg7[%get3A_237, %get3A_238] {strides = array<i32>} : memref<200x128xf32, #tpu.memory_space<vmem>>, vector<1x16xf32>,
          %get3A_240 = vector.shape_cast %get3A_239 : vector<1x16xf32> to vector<16xf32>
          %get3A_241 = arith.index_cast %while3A_159 : i32 to index
          %get3A_242 = arith.constant 80 : index
          %get3A_243 = tpu.vector_load %arg9[%get3A_241, %get3A_242] {strides = array<i32>} : memref<128x128xf32, #tpu.memory_space<vmem>>, vector<1x16xf32>,
          %get3A_244 = vector.shape_cast %get3A_243 : vector<1x16xf32> to vector<16xf32>
          %add3A_245 = arith.addf %get3A_240, %get3A_244 : vector<16xf32>
          %swap3A_246 = arith.index_cast %sub3A_167 : i32 to index
          %swap3A_247 = arith.constant 80 : index
          %swap3A_248 = tpu.vector_load %arg7[%swap3A_246, %swap3A_247] {strides = array<i32>} : memref<200x128xf32, #tpu.memory_space<vmem>>, vector<1x16xf32>,
          %swap3A_249 = vector.shape_cast %swap3A_248 : vector<1x16xf32> to vector<16xf32>
          %swap3A_250 = vector.shape_cast %add3A_245 : vector<16xf32> to vector<1x16xf32>
          tpu.vector_store %arg7[%swap3A_246, %swap3A_247], %swap3A_250 {strides = array<i32>} : memref<200x128xf32, #tpu.memory_space<vmem>>, vector<1x16xf32>,
          %get3A_251 = arith.index_cast %sub3A_167 : i32 to index
          %get3A_252 = arith.constant 96 : index
          %get3A_253 = tpu.vector_load %arg7[%get3A_251, %get3A_252] {strides = array<i32>} : memref<200x128xf32, #tpu.memory_space<vmem>>, vector<1x16xf32>,
          %get3A_254 = vector.shape_cast %get3A_253 : vector<1x16xf32> to vector<16xf32>
          %get3A_255 = arith.index_cast %while3A_159 : i32 to index
          %get3A_256 = arith.constant 96 : index
          %get3A_257 = tpu.vector_load %arg9[%get3A_255, %get3A_256] {strides = array<i32>} : memref<128x128xf32, #tpu.memory_space<vmem>>, vector<1x16xf32>,
          %get3A_258 = vector.shape_cast %get3A_257 : vector<1x16xf32> to vector<16xf32>
          %add3A_259 = arith.addf %get3A_254, %get3A_258 : vector<16xf32>
          %swap3A_260 = arith.index_cast %sub3A_167 : i32 to index
          %swap3A_261 = arith.constant 96 : index
          %swap3A_262 = tpu.vector_load %arg7[%swap3A_260, %swap3A_261] {strides = array<i32>} : memref<200x128xf32, #tpu.memory_space<vmem>>, vector<1x16xf32>,
          %swap3A_263 = vector.shape_cast %swap3A_262 : vector<1x16xf32> to vector<16xf32>
          %swap3A_264 = vector.shape_cast %add3A_259 : vector<16xf32> to vector<1x16xf32>
          tpu.vector_store %arg7[%swap3A_260, %swap3A_261], %swap3A_264 {strides = array<i32>} : memref<200x128xf32, #tpu.memory_space<vmem>>, vector<1x16xf32>,
          %get3A_265 = arith.index_cast %sub3A_167 : i32 to index
          %get3A_266 = arith.constant 112 : index
          %get3A_267 = tpu.vector_load %arg7[%get3A_265, %get3A_266] {strides = array<i32>} : memref<200x128xf32, #tpu.memory_space<vmem>>, vector<1x16xf32>,
          %get3A_268 = vector.shape_cast %get3A_267 : vector<1x16xf32> to vector<16xf32>
          %get3A_269 = arith.index_cast %while3A_159 : i32 to index
          %get3A_270 = arith.constant 112 : index
          %get3A_271 = tpu.vector_load %arg9[%get3A_269, %get3A_270] {strides = array<i32>} : memref<128x128xf32, #tpu.memory_space<vmem>>, vector<1x16xf32>,
          %get3A_272 = vector.shape_cast %get3A_271 : vector<1x16xf32> to vector<16xf32>
          %add3A_273 = arith.addf %get3A_268, %get3A_272 : vector<16xf32>
          %swap3A_274 = arith.index_cast %sub3A_167 : i32 to index
          %swap3A_275 = arith.constant 112 : index
          %swap3A_276 = tpu.vector_load %arg7[%swap3A_274, %swap3A_275] {strides = array<i32>} : memref<200x128xf32, #tpu.memory_space<vmem>>, vector<1x16xf32>,
          %swap3A_277 = vector.shape_cast %swap3A_276 : vector<1x16xf32> to vector<16xf32>
          %swap3A_278 = vector.shape_cast %add3A_273 : vector<16xf32> to vector<1x16xf32>
          tpu.vector_store %arg7[%swap3A_274, %swap3A_275], %swap3A_278 {strides = array<i32>} : memref<200x128xf32, #tpu.memory_space<vmem>>, vector<1x16xf32>,
          %while3A_279 = arith.constant 0 : i32
          scf.yield %while3A_279 : i32
        }
        %add3A_152 = arith.constant 1 : i32
        %add3A_153 = arith.addi %mul3A_126, %add3A_152 : i32
        %lt3A_154 = arith.cmpi slt, %add3A_153, %select_n3A_82 : i32
        %convert_element_type3A_155 = arith.extui %lt3A_154 : i1 to i32
        %cond3A_156 = arith.constant 0 : i32
        %cond3A_157 = arith.cmpi ne, %convert_element_type3A_155, %cond3A_156 : i32
        scf.if %cond3A_157 {
          %dma_wait3A_159 = arith.constant 0 : i32
          %dma_wait3A_160 = arith.constant 0 : i32
          %dma_wait3A_161 = tpu.memref_slice %arg2[%dma_wait3A_159, %dma_wait3A_160] : memref<160000x128xf32, #tpu.memory_space<hbm>> -> memref<160000x128xf32, #tpu.memory_space<hbm>>
          tpu.wait_indirect_dma semaphore(%arg17 : memref<!tpu.dma_semaphore, #tpu.memory_space<semaphore_mem>>) src(%dma_wait3A_161 : memref<160000x128xf32, #tpu.memory_space<hbm>>) dst(%arg12 : memref<128x128xf32, #tpu.memory_space<vmem>>)
          %add3A_162 = arith.constant 2 : i32
          %add3A_163 = arith.addi %mul3A_126, %add3A_162 : i32
          %lt3A_164 = arith.cmpi slt, %add3A_163, %select_n3A_82 : i32
          %convert_element_type3A_165 = arith.extui %lt3A_164 : i1 to i32
          %cond3A_166 = arith.constant 0 : i32
          %cond3A_167 = arith.cmpi ne, %convert_element_type3A_165, %cond3A_166 : i32
          scf.if %cond3A_167 {
            %add3A_187 = arith.constant 256 : i32
            %add3A_188 = arith.addi %add3A_129, %add3A_187 : i32
            "tpu.region"() ({
              %run_scoped3A = tpu.sem_alloc : memref<!tpu.dma_semaphore, #tpu.memory_space<semaphore_mem>>
              %dma_start3A_191 = tpu.memref_slice %arg3[%add3A_188] : memref<160128xi32, #tpu.memory_space<hbm>> -> memref<128xi32, #tpu.memory_space<hbm>>
              %dma_start3A_192 = tpu.memref_slice %arg3[%add3A_188] : memref<160128xi32, #tpu.memory_space<hbm>> -> memref<128xi32, #tpu.memory_space<hbm>>
              tpu.enqueue_dma source(%dma_start3A_192 : memref<128xi32, #tpu.memory_space<hbm>>) target(%arg10 : memref<128xi32, #tpu.memory_space<vmem>>) target_semaphore(%run_scoped3A : memref<!tpu.dma_semaphore, #tpu.memory_space<semaphore_mem>>)
              %dma_wait3A_193 = tpu.memref_slice %arg3[%add3A_188] : memref<160128xi32, #tpu.memory_space<hbm>> -> memref<128xi32, #tpu.memory_space<hbm>>
              %dma_wait3A_194 = tpu.memref_slice %arg3[%add3A_188] : memref<160128xi32, #tpu.memory_space<hbm>> -> memref<128xi32, #tpu.memory_space<hbm>>
              tpu.wait_dma2 semaphore(%run_scoped3A : memref<!tpu.dma_semaphore, #tpu.memory_space<semaphore_mem>>) src(%dma_wait3A_194 : memref<128xi32, #tpu.memory_space<hbm>>) dst(%arg10 : memref<128xi32, #tpu.memory_space<vmem>>)
              tpu.yield
            }) : () -> ()
            "tpu.region"() ({
              %run_scoped3A = tpu.sem_alloc : memref<!tpu.dma_semaphore, #tpu.memory_space<semaphore_mem>>
              %dma_start3A_191 = arith.constant 0 : i32
              %dma_start3A_192 = tpu.memref_slice %arg4[%add3A_188, %dma_start3A_191] : memref<160128x16xi32, #tpu.memory_space<hbm>> -> memref<128x16xi32, #tpu.memory_space<hbm>>
              %dma_start3A_193 = arith.constant 0 : i32
              %dma_start3A_194 = tpu.memref_slice %arg4[%add3A_188, %dma_start3A_193] : memref<160128x16xi32, #tpu.memory_space<hbm>> -> memref<128x16xi32, #tpu.memory_space<hbm>>
              tpu.enqueue_dma source(%dma_start3A_194 : memref<128x16xi32, #tpu.memory_space<hbm>>) target(%arg11 : memref<128x16xi32, #tpu.memory_space<vmem>>) target_semaphore(%run_scoped3A : memref<!tpu.dma_semaphore, #tpu.memory_space<semaphore_mem>>)
              %dma_wait3A_195 = arith.constant 0 : i32
              %dma_wait3A_196 = tpu.memref_slice %arg4[%add3A_188, %dma_wait3A_195] : memref<160128x16xi32, #tpu.memory_space<hbm>> -> memref<128x16xi32, #tpu.memory_space<hbm>>
              %dma_wait3A_197 = arith.constant 0 : i32
              %dma_wait3A_198 = tpu.memref_slice %arg4[%add3A_188, %dma_wait3A_197] : memref<160128x16xi32, #tpu.memory_space<hbm>> -> memref<128x16xi32, #tpu.memory_space<hbm>>
              tpu.wait_dma2 semaphore(%run_scoped3A : memref<!tpu.dma_semaphore, #tpu.memory_space<semaphore_mem>>) src(%dma_wait3A_198 : memref<128x16xi32, #tpu.memory_space<hbm>>) dst(%arg11 : memref<128x16xi32, #tpu.memory_space<vmem>>)
              tpu.yield
            }) : () -> ()
            %dma_start3A = arith.constant 0 : i32
            %dma_start3A_189 = arith.constant 0 : i32
            %dma_start3A_190 = tpu.memref_slice %arg2[%dma_start3A, %dma_start3A_189] : memref<160000x128xf32, #tpu.memory_space<hbm>> -> memref<160000x128xf32, #tpu.memory_space<hbm>>
            tpu.enqueue_indirect_dma source(%dma_start3A_190 : memref<160000x128xf32, #tpu.memory_space<hbm>>) target(%arg9 : memref<128x128xf32, #tpu.memory_space<vmem>>) offsets(%arg10 : memref<128xi32, #tpu.memory_space<vmem>>) semaphore(%arg16 : memref<!tpu.dma_semaphore, #tpu.memory_space<semaphore_mem>>)
          } else {
          }
          %add3A_168 = arith.constant 128 : i32
          %add3A_169 = arith.addi %add3A_129, %add3A_168 : i32
          %sub3A_170 = arith.subi %squeeze3A, %add3A_169 : i32
          %max3A_171 = arith.constant 0 : i32
          %max3A_172 = arith.maxsi %sub3A_170, %max3A_171 : i32
          %sub3A_173 = arith.subi %squeeze3A_30, %add3A_169 : i32
          %min3A_174 = arith.constant 128 : i32
          %min3A_175 = arith.minsi %sub3A_173, %min3A_174 : i32
          %while3A_176 = arith.constant 0 : i32
          %while3A_177 = arith.subi %min3A_175, %max3A_172 : i32
          %while3A_178 = arith.addi %max3A_172, %while3A_177 : i32
          %while3A_179 = arith.constant 1 : i32
          %while3A_180 = arith.divsi %while3A_177, %while3A_179 : i32
          %while3A_181 = arith.muli %while3A_180, %while3A_179 : i32
          %while3A_182 = arith.addi %max3A_172, %while3A_181 : i32
          %while3A_183 = arith.constant 1 : i32
          %while3A_184 = scf.for %while3A_187 = %max3A_172 to %while3A_182 step %while3A_183 iter_args(%while3A_188 = %while3A_176) -> (i32)  : i32 {
            %get3A_189 = arith.index_cast %while3A_187 : i32 to index
            %get3A_190 = arith.constant 0 : index
            %get3A_191 = tpu.vector_load %arg14[%get3A_189, %get3A_190] {strides = array<i32>} : memref<128x16xi32, #tpu.memory_space<vmem>>, vector<1x16xi32>,
            %get3A_192 = vector.shape_cast %get3A_191 : vector<1x16xi32> to vector<16xi32>
            %slice3A_193 = vector.extract_strided_slice %get3A_192 {offsets = [0], sizes = [1], strides = [1]} : vector<16xi32> to vector<1xi32>
            %squeeze3A_194 = vector.extract %slice3A_193[0] : i32 from vector<1xi32>
            %sub3A_195 = arith.subi %squeeze3A_194, %add3A_35 : i32
            %get3A_196 = arith.index_cast %sub3A_195 : i32 to index
            %get3A_197 = arith.constant 0 : index
            %get3A_198 = tpu.vector_load %arg7[%get3A_196, %get3A_197] {strides = array<i32>} : memref<200x128xf32, #tpu.memory_space<vmem>>, vector<1x16xf32>,
            %get3A_199 = vector.shape_cast %get3A_198 : vector<1x16xf32> to vector<16xf32>
            %get3A_200 = arith.index_cast %while3A_187 : i32 to index
            %get3A_201 = arith.constant 0 : index
            %get3A_202 = tpu.vector_load %arg12[%get3A_200, %get3A_201] {strides = array<i32>} : memref<128x128xf32, #tpu.memory_space<vmem>>, vector<1x16xf32>,
            %get3A_203 = vector.shape_cast %get3A_202 : vector<1x16xf32> to vector<16xf32>
            %add3A_204 = arith.addf %get3A_199, %get3A_203 : vector<16xf32>
            %swap3A = arith.index_cast %sub3A_195 : i32 to index
            %swap3A_205 = arith.constant 0 : index
            %swap3A_206 = tpu.vector_load %arg7[%swap3A, %swap3A_205] {strides = array<i32>} : memref<200x128xf32, #tpu.memory_space<vmem>>, vector<1x16xf32>,
            %swap3A_207 = vector.shape_cast %swap3A_206 : vector<1x16xf32> to vector<16xf32>
            %swap3A_208 = vector.shape_cast %add3A_204 : vector<16xf32> to vector<1x16xf32>
            tpu.vector_store %arg7[%swap3A, %swap3A_205], %swap3A_208 {strides = array<i32>} : memref<200x128xf32, #tpu.memory_space<vmem>>, vector<1x16xf32>,
            %get3A_209 = arith.index_cast %sub3A_195 : i32 to index
            %get3A_210 = arith.constant 16 : index
            %get3A_211 = tpu.vector_load %arg7[%get3A_209, %get3A_210] {strides = array<i32>} : memref<200x128xf32, #tpu.memory_space<vmem>>, vector<1x16xf32>,
            %get3A_212 = vector.shape_cast %get3A_211 : vector<1x16xf32> to vector<16xf32>
            %get3A_213 = arith.index_cast %while3A_187 : i32 to index
            %get3A_214 = arith.constant 16 : index
            %get3A_215 = tpu.vector_load %arg12[%get3A_213, %get3A_214] {strides = array<i32>} : memref<128x128xf32, #tpu.memory_space<vmem>>, vector<1x16xf32>,
            %get3A_216 = vector.shape_cast %get3A_215 : vector<1x16xf32> to vector<16xf32>
            %add3A_217 = arith.addf %get3A_212, %get3A_216 : vector<16xf32>
            %swap3A_218 = arith.index_cast %sub3A_195 : i32 to index
            %swap3A_219 = arith.constant 16 : index
            %swap3A_220 = tpu.vector_load %arg7[%swap3A_218, %swap3A_219] {strides = array<i32>} : memref<200x128xf32, #tpu.memory_space<vmem>>, vector<1x16xf32>,
            %swap3A_221 = vector.shape_cast %swap3A_220 : vector<1x16xf32> to vector<16xf32>
            %swap3A_222 = vector.shape_cast %add3A_217 : vector<16xf32> to vector<1x16xf32>
            tpu.vector_store %arg7[%swap3A_218, %swap3A_219], %swap3A_222 {strides = array<i32>} : memref<200x128xf32, #tpu.memory_space<vmem>>, vector<1x16xf32>,
            %get3A_223 = arith.index_cast %sub3A_195 : i32 to index
            %get3A_224 = arith.constant 32 : index
            %get3A_225 = tpu.vector_load %arg7[%get3A_223, %get3A_224] {strides = array<i32>} : memref<200x128xf32, #tpu.memory_space<vmem>>, vector<1x16xf32>,
            %get3A_226 = vector.shape_cast %get3A_225 : vector<1x16xf32> to vector<16xf32>
            %get3A_227 = arith.index_cast %while3A_187 : i32 to index
            %get3A_228 = arith.constant 32 : index
            %get3A_229 = tpu.vector_load %arg12[%get3A_227, %get3A_228] {strides = array<i32>} : memref<128x128xf32, #tpu.memory_space<vmem>>, vector<1x16xf32>,
            %get3A_230 = vector.shape_cast %get3A_229 : vector<1x16xf32> to vector<16xf32>
            %add3A_231 = arith.addf %get3A_226, %get3A_230 : vector<16xf32>
            %swap3A_232 = arith.index_cast %sub3A_195 : i32 to index
            %swap3A_233 = arith.constant 32 : index
            %swap3A_234 = tpu.vector_load %arg7[%swap3A_232, %swap3A_233] {strides = array<i32>} : memref<200x128xf32, #tpu.memory_space<vmem>>, vector<1x16xf32>,
            %swap3A_235 = vector.shape_cast %swap3A_234 : vector<1x16xf32> to vector<16xf32>
            %swap3A_236 = vector.shape_cast %add3A_231 : vector<16xf32> to vector<1x16xf32>
            tpu.vector_store %arg7[%swap3A_232, %swap3A_233], %swap3A_236 {strides = array<i32>} : memref<200x128xf32, #tpu.memory_space<vmem>>, vector<1x16xf32>,
            %get3A_237 = arith.index_cast %sub3A_195 : i32 to index
            %get3A_238 = arith.constant 48 : index
            %get3A_239 = tpu.vector_load %arg7[%get3A_237, %get3A_238] {strides = array<i32>} : memref<200x128xf32, #tpu.memory_space<vmem>>, vector<1x16xf32>,
            %get3A_240 = vector.shape_cast %get3A_239 : vector<1x16xf32> to vector<16xf32>
            %get3A_241 = arith.index_cast %while3A_187 : i32 to index
            %get3A_242 = arith.constant 48 : index
            %get3A_243 = tpu.vector_load %arg12[%get3A_241, %get3A_242] {strides = array<i32>} : memref<128x128xf32, #tpu.memory_space<vmem>>, vector<1x16xf32>,
            %get3A_244 = vector.shape_cast %get3A_243 : vector<1x16xf32> to vector<16xf32>
            %add3A_245 = arith.addf %get3A_240, %get3A_244 : vector<16xf32>
            %swap3A_246 = arith.index_cast %sub3A_195 : i32 to index
            %swap3A_247 = arith.constant 48 : index
            %swap3A_248 = tpu.vector_load %arg7[%swap3A_246, %swap3A_247] {strides = array<i32>} : memref<200x128xf32, #tpu.memory_space<vmem>>, vector<1x16xf32>,
            %swap3A_249 = vector.shape_cast %swap3A_248 : vector<1x16xf32> to vector<16xf32>
            %swap3A_250 = vector.shape_cast %add3A_245 : vector<16xf32> to vector<1x16xf32>
            tpu.vector_store %arg7[%swap3A_246, %swap3A_247], %swap3A_250 {strides = array<i32>} : memref<200x128xf32, #tpu.memory_space<vmem>>, vector<1x16xf32>,
            %get3A_251 = arith.index_cast %sub3A_195 : i32 to index
            %get3A_252 = arith.constant 64 : index
            %get3A_253 = tpu.vector_load %arg7[%get3A_251, %get3A_252] {strides = array<i32>} : memref<200x128xf32, #tpu.memory_space<vmem>>, vector<1x16xf32>,
            %get3A_254 = vector.shape_cast %get3A_253 : vector<1x16xf32> to vector<16xf32>
            %get3A_255 = arith.index_cast %while3A_187 : i32 to index
            %get3A_256 = arith.constant 64 : index
            %get3A_257 = tpu.vector_load %arg12[%get3A_255, %get3A_256] {strides = array<i32>} : memref<128x128xf32, #tpu.memory_space<vmem>>, vector<1x16xf32>,
            %get3A_258 = vector.shape_cast %get3A_257 : vector<1x16xf32> to vector<16xf32>
            %add3A_259 = arith.addf %get3A_254, %get3A_258 : vector<16xf32>
            %swap3A_260 = arith.index_cast %sub3A_195 : i32 to index
            %swap3A_261 = arith.constant 64 : index
            %swap3A_262 = tpu.vector_load %arg7[%swap3A_260, %swap3A_261] {strides = array<i32>} : memref<200x128xf32, #tpu.memory_space<vmem>>, vector<1x16xf32>,
            %swap3A_263 = vector.shape_cast %swap3A_262 : vector<1x16xf32> to vector<16xf32>
            %swap3A_264 = vector.shape_cast %add3A_259 : vector<16xf32> to vector<1x16xf32>
            tpu.vector_store %arg7[%swap3A_260, %swap3A_261], %swap3A_264 {strides = array<i32>} : memref<200x128xf32, #tpu.memory_space<vmem>>, vector<1x16xf32>,
            %get3A_265 = arith.index_cast %sub3A_195 : i32 to index
            %get3A_266 = arith.constant 80 : index
            %get3A_267 = tpu.vector_load %arg7[%get3A_265, %get3A_266] {strides = array<i32>} : memref<200x128xf32, #tpu.memory_space<vmem>>, vector<1x16xf32>,
            %get3A_268 = vector.shape_cast %get3A_267 : vector<1x16xf32> to vector<16xf32>
            %get3A_269 = arith.index_cast %while3A_187 : i32 to index
            %get3A_270 = arith.constant 80 : index
            %get3A_271 = tpu.vector_load %arg12[%get3A_269, %get3A_270] {strides = array<i32>} : memref<128x128xf32, #tpu.memory_space<vmem>>, vector<1x16xf32>,
            %get3A_272 = vector.shape_cast %get3A_271 : vector<1x16xf32> to vector<16xf32>
            %add3A_273 = arith.addf %get3A_268, %get3A_272 : vector<16xf32>
            %swap3A_274 = arith.index_cast %sub3A_195 : i32 to index
            %swap3A_275 = arith.constant 80 : index
            %swap3A_276 = tpu.vector_load %arg7[%swap3A_274, %swap3A_275] {strides = array<i32>} : memref<200x128xf32, #tpu.memory_space<vmem>>, vector<1x16xf32>,
            %swap3A_277 = vector.shape_cast %swap3A_276 : vector<1x16xf32> to vector<16xf32>
            %swap3A_278 = vector.shape_cast %add3A_273 : vector<16xf32> to vector<1x16xf32>
            tpu.vector_store %arg7[%swap3A_274, %swap3A_275], %swap3A_278 {strides = array<i32>} : memref<200x128xf32, #tpu.memory_space<vmem>>, vector<1x16xf32>,
            %get3A_279 = arith.index_cast %sub3A_195 : i32 to index
            %get3A_280 = arith.constant 96 : index
            %get3A_281 = tpu.vector_load %arg7[%get3A_279, %get3A_280] {strides = array<i32>} : memref<200x128xf32, #tpu.memory_space<vmem>>, vector<1x16xf32>,
            %get3A_282 = vector.shape_cast %get3A_281 : vector<1x16xf32> to vector<16xf32>
            %get3A_283 = arith.index_cast %while3A_187 : i32 to index
            %get3A_284 = arith.constant 96 : index
            %get3A_285 = tpu.vector_load %arg12[%get3A_283, %get3A_284] {strides = array<i32>} : memref<128x128xf32, #tpu.memory_space<vmem>>, vector<1x16xf32>,
            %get3A_286 = vector.shape_cast %get3A_285 : vector<1x16xf32> to vector<16xf32>
            %add3A_287 = arith.addf %get3A_282, %get3A_286 : vector<16xf32>
            %swap3A_288 = arith.index_cast %sub3A_195 : i32 to index
            %swap3A_289 = arith.constant 96 : index
            %swap3A_290 = tpu.vector_load %arg7[%swap3A_288, %swap3A_289] {strides = array<i32>} : memref<200x128xf32, #tpu.memory_space<vmem>>, vector<1x16xf32>,
            %swap3A_291 = vector.shape_cast %swap3A_290 : vector<1x16xf32> to vector<16xf32>
            %swap3A_292 = vector.shape_cast %add3A_287 : vector<16xf32> to vector<1x16xf32>
            tpu.vector_store %arg7[%swap3A_288, %swap3A_289], %swap3A_292 {strides = array<i32>} : memref<200x128xf32, #tpu.memory_space<vmem>>, vector<1x16xf32>,
            %get3A_293 = arith.index_cast %sub3A_195 : i32 to index
            %get3A_294 = arith.constant 112 : index
            %get3A_295 = tpu.vector_load %arg7[%get3A_293, %get3A_294] {strides = array<i32>} : memref<200x128xf32, #tpu.memory_space<vmem>>, vector<1x16xf32>,
            %get3A_296 = vector.shape_cast %get3A_295 : vector<1x16xf32> to vector<16xf32>
            %get3A_297 = arith.index_cast %while3A_187 : i32 to index
            %get3A_298 = arith.constant 112 : index
            %get3A_299 = tpu.vector_load %arg12[%get3A_297, %get3A_298] {strides = array<i32>} : memref<128x128xf32, #tpu.memory_space<vmem>>, vector<1x16xf32>,
            %get3A_300 = vector.shape_cast %get3A_299 : vector<1x16xf32> to vector<16xf32>
            %add3A_301 = arith.addf %get3A_296, %get3A_300 : vector<16xf32>
            %swap3A_302 = arith.index_cast %sub3A_195 : i32 to index
            %swap3A_303 = arith.constant 112 : index
            %swap3A_304 = tpu.vector_load %arg7[%swap3A_302, %swap3A_303] {strides = array<i32>} : memref<200x128xf32, #tpu.memory_space<vmem>>, vector<1x16xf32>,
            %swap3A_305 = vector.shape_cast %swap3A_304 : vector<1x16xf32> to vector<16xf32>
            %swap3A_306 = vector.shape_cast %add3A_301 : vector<16xf32> to vector<1x16xf32>
            tpu.vector_store %arg7[%swap3A_302, %swap3A_303], %swap3A_306 {strides = array<i32>} : memref<200x128xf32, #tpu.memory_space<vmem>>, vector<1x16xf32>,
            %while3A_307 = arith.constant 0 : i32
            scf.yield %while3A_307 : i32
          }
          %while3A_185 = arith.constant 1 : i32
          %while3A_186 = scf.for %while3A_187 = %while3A_182 to %while3A_178 step %while3A_185 iter_args(%while3A_188 = %while3A_184) -> (i32)  : i32 {
            %get3A_189 = arith.index_cast %while3A_187 : i32 to index
            %get3A_190 = arith.constant 0 : index
            %get3A_191 = tpu.vector_load %arg14[%get3A_189, %get3A_190] {strides = array<i32>} : memref<128x16xi32, #tpu.memory_space<vmem>>, vector<1x16xi32>,
            %get3A_192 = vector.shape_cast %get3A_191 : vector<1x16xi32> to vector<16xi32>
            %slice3A_193 = vector.extract_strided_slice %get3A_192 {offsets = [0], sizes = [1], strides = [1]} : vector<16xi32> to vector<1xi32>
            %squeeze3A_194 = vector.extract %slice3A_193[0] : i32 from vector<1xi32>
            %sub3A_195 = arith.subi %squeeze3A_194, %add3A_35 : i32
            %get3A_196 = arith.index_cast %sub3A_195 : i32 to index
            %get3A_197 = arith.constant 0 : index
            %get3A_198 = tpu.vector_load %arg7[%get3A_196, %get3A_197] {strides = array<i32>} : memref<200x128xf32, #tpu.memory_space<vmem>>, vector<1x16xf32>,
            %get3A_199 = vector.shape_cast %get3A_198 : vector<1x16xf32> to vector<16xf32>
            %get3A_200 = arith.index_cast %while3A_187 : i32 to index
            %get3A_201 = arith.constant 0 : index
            %get3A_202 = tpu.vector_load %arg12[%get3A_200, %get3A_201] {strides = array<i32>} : memref<128x128xf32, #tpu.memory_space<vmem>>, vector<1x16xf32>,
            %get3A_203 = vector.shape_cast %get3A_202 : vector<1x16xf32> to vector<16xf32>
            %add3A_204 = arith.addf %get3A_199, %get3A_203 : vector<16xf32>
            %swap3A = arith.index_cast %sub3A_195 : i32 to index
            %swap3A_205 = arith.constant 0 : index
            %swap3A_206 = tpu.vector_load %arg7[%swap3A, %swap3A_205] {strides = array<i32>} : memref<200x128xf32, #tpu.memory_space<vmem>>, vector<1x16xf32>,
            %swap3A_207 = vector.shape_cast %swap3A_206 : vector<1x16xf32> to vector<16xf32>
            %swap3A_208 = vector.shape_cast %add3A_204 : vector<16xf32> to vector<1x16xf32>
            tpu.vector_store %arg7[%swap3A, %swap3A_205], %swap3A_208 {strides = array<i32>} : memref<200x128xf32, #tpu.memory_space<vmem>>, vector<1x16xf32>,
            %get3A_209 = arith.index_cast %sub3A_195 : i32 to index
            %get3A_210 = arith.constant 16 : index
            %get3A_211 = tpu.vector_load %arg7[%get3A_209, %get3A_210] {strides = array<i32>} : memref<200x128xf32, #tpu.memory_space<vmem>>, vector<1x16xf32>,
            %get3A_212 = vector.shape_cast %get3A_211 : vector<1x16xf32> to vector<16xf32>
            %get3A_213 = arith.index_cast %while3A_187 : i32 to index
            %get3A_214 = arith.constant 16 : index
            %get3A_215 = tpu.vector_load %arg12[%get3A_213, %get3A_214] {strides = array<i32>} : memref<128x128xf32, #tpu.memory_space<vmem>>, vector<1x16xf32>,
            %get3A_216 = vector.shape_cast %get3A_215 : vector<1x16xf32> to vector<16xf32>
            %add3A_217 = arith.addf %get3A_212, %get3A_216 : vector<16xf32>
            %swap3A_218 = arith.index_cast %sub3A_195 : i32 to index
            %swap3A_219 = arith.constant 16 : index
            %swap3A_220 = tpu.vector_load %arg7[%swap3A_218, %swap3A_219] {strides = array<i32>} : memref<200x128xf32, #tpu.memory_space<vmem>>, vector<1x16xf32>,
            %swap3A_221 = vector.shape_cast %swap3A_220 : vector<1x16xf32> to vector<16xf32>
            %swap3A_222 = vector.shape_cast %add3A_217 : vector<16xf32> to vector<1x16xf32>
            tpu.vector_store %arg7[%swap3A_218, %swap3A_219], %swap3A_222 {strides = array<i32>} : memref<200x128xf32, #tpu.memory_space<vmem>>, vector<1x16xf32>,
            %get3A_223 = arith.index_cast %sub3A_195 : i32 to index
            %get3A_224 = arith.constant 32 : index
            %get3A_225 = tpu.vector_load %arg7[%get3A_223, %get3A_224] {strides = array<i32>} : memref<200x128xf32, #tpu.memory_space<vmem>>, vector<1x16xf32>,
            %get3A_226 = vector.shape_cast %get3A_225 : vector<1x16xf32> to vector<16xf32>
            %get3A_227 = arith.index_cast %while3A_187 : i32 to index
            %get3A_228 = arith.constant 32 : index
            %get3A_229 = tpu.vector_load %arg12[%get3A_227, %get3A_228] {strides = array<i32>} : memref<128x128xf32, #tpu.memory_space<vmem>>, vector<1x16xf32>,
            %get3A_230 = vector.shape_cast %get3A_229 : vector<1x16xf32> to vector<16xf32>
            %add3A_231 = arith.addf %get3A_226, %get3A_230 : vector<16xf32>
            %swap3A_232 = arith.index_cast %sub3A_195 : i32 to index
            %swap3A_233 = arith.constant 32 : index
            %swap3A_234 = tpu.vector_load %arg7[%swap3A_232, %swap3A_233] {strides = array<i32>} : memref<200x128xf32, #tpu.memory_space<vmem>>, vector<1x16xf32>,
            %swap3A_235 = vector.shape_cast %swap3A_234 : vector<1x16xf32> to vector<16xf32>
            %swap3A_236 = vector.shape_cast %add3A_231 : vector<16xf32> to vector<1x16xf32>
            tpu.vector_store %arg7[%swap3A_232, %swap3A_233], %swap3A_236 {strides = array<i32>} : memref<200x128xf32, #tpu.memory_space<vmem>>, vector<1x16xf32>,
            %get3A_237 = arith.index_cast %sub3A_195 : i32 to index
            %get3A_238 = arith.constant 48 : index
            %get3A_239 = tpu.vector_load %arg7[%get3A_237, %get3A_238] {strides = array<i32>} : memref<200x128xf32, #tpu.memory_space<vmem>>, vector<1x16xf32>,
            %get3A_240 = vector.shape_cast %get3A_239 : vector<1x16xf32> to vector<16xf32>
            %get3A_241 = arith.index_cast %while3A_187 : i32 to index
            %get3A_242 = arith.constant 48 : index
            %get3A_243 = tpu.vector_load %arg12[%get3A_241, %get3A_242] {strides = array<i32>} : memref<128x128xf32, #tpu.memory_space<vmem>>, vector<1x16xf32>,
            %get3A_244 = vector.shape_cast %get3A_243 : vector<1x16xf32> to vector<16xf32>
            %add3A_245 = arith.addf %get3A_240, %get3A_244 : vector<16xf32>
            %swap3A_246 = arith.index_cast %sub3A_195 : i32 to index
            %swap3A_247 = arith.constant 48 : index
            %swap3A_248 = tpu.vector_load %arg7[%swap3A_246, %swap3A_247] {strides = array<i32>} : memref<200x128xf32, #tpu.memory_space<vmem>>, vector<1x16xf32>,
            %swap3A_249 = vector.shape_cast %swap3A_248 : vector<1x16xf32> to vector<16xf32>
            %swap3A_250 = vector.shape_cast %add3A_245 : vector<16xf32> to vector<1x16xf32>
            tpu.vector_store %arg7[%swap3A_246, %swap3A_247], %swap3A_250 {strides = array<i32>} : memref<200x128xf32, #tpu.memory_space<vmem>>, vector<1x16xf32>,
            %get3A_251 = arith.index_cast %sub3A_195 : i32 to index
            %get3A_252 = arith.constant 64 : index
            %get3A_253 = tpu.vector_load %arg7[%get3A_251, %get3A_252] {strides = array<i32>} : memref<200x128xf32, #tpu.memory_space<vmem>>, vector<1x16xf32>,
            %get3A_254 = vector.shape_cast %get3A_253 : vector<1x16xf32> to vector<16xf32>
            %get3A_255 = arith.index_cast %while3A_187 : i32 to index
            %get3A_256 = arith.constant 64 : index
            %get3A_257 = tpu.vector_load %arg12[%get3A_255, %get3A_256] {strides = array<i32>} : memref<128x128xf32, #tpu.memory_space<vmem>>, vector<1x16xf32>,
            %get3A_258 = vector.shape_cast %get3A_257 : vector<1x16xf32> to vector<16xf32>
            %add3A_259 = arith.addf %get3A_254, %get3A_258 : vector<16xf32>
            %swap3A_260 = arith.index_cast %sub3A_195 : i32 to index
            %swap3A_261 = arith.constant 64 : index
            %swap3A_262 = tpu.vector_load %arg7[%swap3A_260, %swap3A_261] {strides = array<i32>} : memref<200x128xf32, #tpu.memory_space<vmem>>, vector<1x16xf32>,
            %swap3A_263 = vector.shape_cast %swap3A_262 : vector<1x16xf32> to vector<16xf32>
            %swap3A_264 = vector.shape_cast %add3A_259 : vector<16xf32> to vector<1x16xf32>
            tpu.vector_store %arg7[%swap3A_260, %swap3A_261], %swap3A_264 {strides = array<i32>} : memref<200x128xf32, #tpu.memory_space<vmem>>, vector<1x16xf32>,
            %get3A_265 = arith.index_cast %sub3A_195 : i32 to index
            %get3A_266 = arith.constant 80 : index
            %get3A_267 = tpu.vector_load %arg7[%get3A_265, %get3A_266] {strides = array<i32>} : memref<200x128xf32, #tpu.memory_space<vmem>>, vector<1x16xf32>,
            %get3A_268 = vector.shape_cast %get3A_267 : vector<1x16xf32> to vector<16xf32>
            %get3A_269 = arith.index_cast %while3A_187 : i32 to index
            %get3A_270 = arith.constant 80 : index
            %get3A_271 = tpu.vector_load %arg12[%get3A_269, %get3A_270] {strides = array<i32>} : memref<128x128xf32, #tpu.memory_space<vmem>>, vector<1x16xf32>,
            %get3A_272 = vector.shape_cast %get3A_271 : vector<1x16xf32> to vector<16xf32>
            %add3A_273 = arith.addf %get3A_268, %get3A_272 : vector<16xf32>
            %swap3A_274 = arith.index_cast %sub3A_195 : i32 to index
            %swap3A_275 = arith.constant 80 : index
            %swap3A_276 = tpu.vector_load %arg7[%swap3A_274, %swap3A_275] {strides = array<i32>} : memref<200x128xf32, #tpu.memory_space<vmem>>, vector<1x16xf32>,
            %swap3A_277 = vector.shape_cast %swap3A_276 : vector<1x16xf32> to vector<16xf32>
            %swap3A_278 = vector.shape_cast %add3A_273 : vector<16xf32> to vector<1x16xf32>
            tpu.vector_store %arg7[%swap3A_274, %swap3A_275], %swap3A_278 {strides = array<i32>} : memref<200x128xf32, #tpu.memory_space<vmem>>, vector<1x16xf32>,
            %get3A_279 = arith.index_cast %sub3A_195 : i32 to index
            %get3A_280 = arith.constant 96 : index
            %get3A_281 = tpu.vector_load %arg7[%get3A_279, %get3A_280] {strides = array<i32>} : memref<200x128xf32, #tpu.memory_space<vmem>>, vector<1x16xf32>,
            %get3A_282 = vector.shape_cast %get3A_281 : vector<1x16xf32> to vector<16xf32>
            %get3A_283 = arith.index_cast %while3A_187 : i32 to index
            %get3A_284 = arith.constant 96 : index
            %get3A_285 = tpu.vector_load %arg12[%get3A_283, %get3A_284] {strides = array<i32>} : memref<128x128xf32, #tpu.memory_space<vmem>>, vector<1x16xf32>,
            %get3A_286 = vector.shape_cast %get3A_285 : vector<1x16xf32> to vector<16xf32>
            %add3A_287 = arith.addf %get3A_282, %get3A_286 : vector<16xf32>
            %swap3A_288 = arith.index_cast %sub3A_195 : i32 to index
            %swap3A_289 = arith.constant 96 : index
            %swap3A_290 = tpu.vector_load %arg7[%swap3A_288, %swap3A_289] {strides = array<i32>} : memref<200x128xf32, #tpu.memory_space<vmem>>, vector<1x16xf32>,
            %swap3A_291 = vector.shape_cast %swap3A_290 : vector<1x16xf32> to vector<16xf32>
            %swap3A_292 = vector.shape_cast %add3A_287 : vector<16xf32> to vector<1x16xf32>
            tpu.vector_store %arg7[%swap3A_288, %swap3A_289], %swap3A_292 {strides = array<i32>} : memref<200x128xf32, #tpu.memory_space<vmem>>, vector<1x16xf32>,
            %get3A_293 = arith.index_cast %sub3A_195 : i32 to index
            %get3A_294 = arith.constant 112 : index
            %get3A_295 = tpu.vector_load %arg7[%get3A_293, %get3A_294] {strides = array<i32>} : memref<200x128xf32, #tpu.memory_space<vmem>>, vector<1x16xf32>,
            %get3A_296 = vector.shape_cast %get3A_295 : vector<1x16xf32> to vector<16xf32>
            %get3A_297 = arith.index_cast %while3A_187 : i32 to index
            %get3A_298 = arith.constant 112 : index
            %get3A_299 = tpu.vector_load %arg12[%get3A_297, %get3A_298] {strides = array<i32>} : memref<128x128xf32, #tpu.memory_space<vmem>>, vector<1x16xf32>,
            %get3A_300 = vector.shape_cast %get3A_299 : vector<1x16xf32> to vector<16xf32>
            %add3A_301 = arith.addf %get3A_296, %get3A_300 : vector<16xf32>
            %swap3A_302 = arith.index_cast %sub3A_195 : i32 to index
            %swap3A_303 = arith.constant 112 : index
            %swap3A_304 = tpu.vector_load %arg7[%swap3A_302, %swap3A_303] {strides = array<i32>} : memref<200x128xf32, #tpu.memory_space<vmem>>, vector<1x16xf32>,
            %swap3A_305 = vector.shape_cast %swap3A_304 : vector<1x16xf32> to vector<16xf32>
            %swap3A_306 = vector.shape_cast %add3A_301 : vector<16xf32> to vector<1x16xf32>
            tpu.vector_store %arg7[%swap3A_302, %swap3A_303], %swap3A_306 {strides = array<i32>} : memref<200x128xf32, #tpu.memory_space<vmem>>, vector<1x16xf32>,
            %while3A_307 = arith.constant 0 : i32
            scf.yield %while3A_307 : i32
          }
        } else {
        }
        %while3A_158 = arith.constant 0 : i32
        scf.yield %while3A_158 : i32
      }
      %while3A_120 = arith.constant 1 : i32
      %while3A_121 = scf.for %while3A_123 = %while3A_117 to %while3A_113 step %while3A_120 iter_args(%while3A_124 = %while3A_119) -> (i32)  : i32 {
        %mul3A_125 = arith.constant 2 : i32
        %mul3A_126 = arith.muli %mul3A_125, %while3A_123 : i32
        %mul3A_127 = arith.constant 128 : i32
        %mul3A_128 = arith.muli %mul3A_126, %mul3A_127 : i32
        %add3A_129 = arith.addi %mul3A_53, %mul3A_128 : i32
        %dma_wait3A = arith.constant 0 : i32
        %dma_wait3A_130 = arith.constant 0 : i32
        %dma_wait3A_131 = tpu.memref_slice %arg2[%dma_wait3A, %dma_wait3A_130] : memref<160000x128xf32, #tpu.memory_space<hbm>> -> memref<160000x128xf32, #tpu.memory_space<hbm>>
        tpu.wait_indirect_dma semaphore(%arg16 : memref<!tpu.dma_semaphore, #tpu.memory_space<semaphore_mem>>) src(%dma_wait3A_131 : memref<160000x128xf32, #tpu.memory_space<hbm>>) dst(%arg9 : memref<128x128xf32, #tpu.memory_space<vmem>>)
        %add3A_132 = arith.constant 1 : i32
        %add3A_133 = arith.addi %mul3A_126, %add3A_132 : i32
        %lt3A = arith.cmpi slt, %add3A_133, %select_n3A_82 : i32
        %convert_element_type3A_134 = arith.extui %lt3A : i1 to i32
        %cond3A_135 = arith.constant 0 : i32
        %cond3A_136 = arith.cmpi ne, %convert_element_type3A_134, %cond3A_135 : i32
        scf.if %cond3A_136 {
          %add3A_159 = arith.constant 128 : i32
          %add3A_160 = arith.addi %add3A_129, %add3A_159 : i32
          "tpu.region"() ({
            %run_scoped3A = tpu.sem_alloc : memref<!tpu.dma_semaphore, #tpu.memory_space<semaphore_mem>>
            %dma_start3A_163 = tpu.memref_slice %arg3[%add3A_160] : memref<160128xi32, #tpu.memory_space<hbm>> -> memref<128xi32, #tpu.memory_space<hbm>>
            %dma_start3A_164 = tpu.memref_slice %arg3[%add3A_160] : memref<160128xi32, #tpu.memory_space<hbm>> -> memref<128xi32, #tpu.memory_space<hbm>>
            tpu.enqueue_dma source(%dma_start3A_164 : memref<128xi32, #tpu.memory_space<hbm>>) target(%arg13 : memref<128xi32, #tpu.memory_space<vmem>>) target_semaphore(%run_scoped3A : memref<!tpu.dma_semaphore, #tpu.memory_space<semaphore_mem>>)
            %dma_wait3A_165 = tpu.memref_slice %arg3[%add3A_160] : memref<160128xi32, #tpu.memory_space<hbm>> -> memref<128xi32, #tpu.memory_space<hbm>>
            %dma_wait3A_166 = tpu.memref_slice %arg3[%add3A_160] : memref<160128xi32, #tpu.memory_space<hbm>> -> memref<128xi32, #tpu.memory_space<hbm>>
            tpu.wait_dma2 semaphore(%run_scoped3A : memref<!tpu.dma_semaphore, #tpu.memory_space<semaphore_mem>>) src(%dma_wait3A_166 : memref<128xi32, #tpu.memory_space<hbm>>) dst(%arg13 : memref<128xi32, #tpu.memory_space<vmem>>)
            tpu.yield
          }) : () -> ()
          "tpu.region"() ({
            %run_scoped3A = tpu.sem_alloc : memref<!tpu.dma_semaphore, #tpu.memory_space<semaphore_mem>>
            %dma_start3A_163 = arith.constant 0 : i32
            %dma_start3A_164 = tpu.memref_slice %arg4[%add3A_160, %dma_start3A_163] : memref<160128x16xi32, #tpu.memory_space<hbm>> -> memref<128x16xi32, #tpu.memory_space<hbm>>
            %dma_start3A_165 = arith.constant 0 : i32
            %dma_start3A_166 = tpu.memref_slice %arg4[%add3A_160, %dma_start3A_165] : memref<160128x16xi32, #tpu.memory_space<hbm>> -> memref<128x16xi32, #tpu.memory_space<hbm>>
            tpu.enqueue_dma source(%dma_start3A_166 : memref<128x16xi32, #tpu.memory_space<hbm>>) target(%arg14 : memref<128x16xi32, #tpu.memory_space<vmem>>) target_semaphore(%run_scoped3A : memref<!tpu.dma_semaphore, #tpu.memory_space<semaphore_mem>>)
            %dma_wait3A_167 = arith.constant 0 : i32
            %dma_wait3A_168 = tpu.memref_slice %arg4[%add3A_160, %dma_wait3A_167] : memref<160128x16xi32, #tpu.memory_space<hbm>> -> memref<128x16xi32, #tpu.memory_space<hbm>>
            %dma_wait3A_169 = arith.constant 0 : i32
            %dma_wait3A_170 = tpu.memref_slice %arg4[%add3A_160, %dma_wait3A_169] : memref<160128x16xi32, #tpu.memory_space<hbm>> -> memref<128x16xi32, #tpu.memory_space<hbm>>
            tpu.wait_dma2 semaphore(%run_scoped3A : memref<!tpu.dma_semaphore, #tpu.memory_space<semaphore_mem>>) src(%dma_wait3A_170 : memref<128x16xi32, #tpu.memory_space<hbm>>) dst(%arg14 : memref<128x16xi32, #tpu.memory_space<vmem>>)
            tpu.yield
          }) : () -> ()
          %dma_start3A = arith.constant 0 : i32
          %dma_start3A_161 = arith.constant 0 : i32
          %dma_start3A_162 = tpu.memref_slice %arg2[%dma_start3A, %dma_start3A_161] : memref<160000x128xf32, #tpu.memory_space<hbm>> -> memref<160000x128xf32, #tpu.memory_space<hbm>>
          tpu.enqueue_indirect_dma source(%dma_start3A_162 : memref<160000x128xf32, #tpu.memory_space<hbm>>) target(%arg12 : memref<128x128xf32, #tpu.memory_space<vmem>>) offsets(%arg13 : memref<128xi32, #tpu.memory_space<vmem>>) semaphore(%arg17 : memref<!tpu.dma_semaphore, #tpu.memory_space<semaphore_mem>>)
        } else {
        }
        %sub3A_137 = arith.subi %squeeze3A, %add3A_129 : i32
        %max3A = arith.constant 0 : i32
        %max3A_138 = arith.maxsi %sub3A_137, %max3A : i32
        %sub3A_139 = arith.subi %squeeze3A_30, %add3A_129 : i32
        %min3A = arith.constant 128 : i32
        %min3A_140 = arith.minsi %sub3A_139, %min3A : i32
        %while3A_141 = arith.constant 0 : i32
        %while3A_142 = arith.subi %min3A_140, %max3A_138 : i32
        %while3A_143 = arith.addi %max3A_138, %while3A_142 : i32
        %while3A_144 = arith.constant 1 : i32
        %while3A_145 = arith.divsi %while3A_142, %while3A_144 : i32
        %while3A_146 = arith.muli %while3A_145, %while3A_144 : i32
        %while3A_147 = arith.addi %max3A_138, %while3A_146 : i32
        %while3A_148 = arith.constant 1 : i32
        %while3A_149 = scf.for %while3A_159 = %max3A_138 to %while3A_147 step %while3A_148 iter_args(%while3A_160 = %while3A_141) -> (i32)  : i32 {
          %get3A_161 = arith.index_cast %while3A_159 : i32 to index
          %get3A_162 = arith.constant 0 : index
          %get3A_163 = tpu.vector_load %arg11[%get3A_161, %get3A_162] {strides = array<i32>} : memref<128x16xi32, #tpu.memory_space<vmem>>, vector<1x16xi32>,
          %get3A_164 = vector.shape_cast %get3A_163 : vector<1x16xi32> to vector<16xi32>
          %slice3A_165 = vector.extract_strided_slice %get3A_164 {offsets = [0], sizes = [1], strides = [1]} : vector<16xi32> to vector<1xi32>
          %squeeze3A_166 = vector.extract %slice3A_165[0] : i32 from vector<1xi32>
          %sub3A_167 = arith.subi %squeeze3A_166, %add3A_35 : i32
          %get3A_168 = arith.index_cast %sub3A_167 : i32 to index
          %get3A_169 = arith.constant 0 : index
          %get3A_170 = tpu.vector_load %arg7[%get3A_168, %get3A_169] {strides = array<i32>} : memref<200x128xf32, #tpu.memory_space<vmem>>, vector<1x16xf32>,
          %get3A_171 = vector.shape_cast %get3A_170 : vector<1x16xf32> to vector<16xf32>
          %get3A_172 = arith.index_cast %while3A_159 : i32 to index
          %get3A_173 = arith.constant 0 : index
          %get3A_174 = tpu.vector_load %arg9[%get3A_172, %get3A_173] {strides = array<i32>} : memref<128x128xf32, #tpu.memory_space<vmem>>, vector<1x16xf32>,
          %get3A_175 = vector.shape_cast %get3A_174 : vector<1x16xf32> to vector<16xf32>
          %add3A_176 = arith.addf %get3A_171, %get3A_175 : vector<16xf32>
          %swap3A = arith.index_cast %sub3A_167 : i32 to index
          %swap3A_177 = arith.constant 0 : index
          %swap3A_178 = tpu.vector_load %arg7[%swap3A, %swap3A_177] {strides = array<i32>} : memref<200x128xf32, #tpu.memory_space<vmem>>, vector<1x16xf32>,
          %swap3A_179 = vector.shape_cast %swap3A_178 : vector<1x16xf32> to vector<16xf32>
          %swap3A_180 = vector.shape_cast %add3A_176 : vector<16xf32> to vector<1x16xf32>
          tpu.vector_store %arg7[%swap3A, %swap3A_177], %swap3A_180 {strides = array<i32>} : memref<200x128xf32, #tpu.memory_space<vmem>>, vector<1x16xf32>,
          %get3A_181 = arith.index_cast %sub3A_167 : i32 to index
          %get3A_182 = arith.constant 16 : index
          %get3A_183 = tpu.vector_load %arg7[%get3A_181, %get3A_182] {strides = array<i32>} : memref<200x128xf32, #tpu.memory_space<vmem>>, vector<1x16xf32>,
          %get3A_184 = vector.shape_cast %get3A_183 : vector<1x16xf32> to vector<16xf32>
          %get3A_185 = arith.index_cast %while3A_159 : i32 to index
          %get3A_186 = arith.constant 16 : index
          %get3A_187 = tpu.vector_load %arg9[%get3A_185, %get3A_186] {strides = array<i32>} : memref<128x128xf32, #tpu.memory_space<vmem>>, vector<1x16xf32>,
          %get3A_188 = vector.shape_cast %get3A_187 : vector<1x16xf32> to vector<16xf32>
          %add3A_189 = arith.addf %get3A_184, %get3A_188 : vector<16xf32>
          %swap3A_190 = arith.index_cast %sub3A_167 : i32 to index
          %swap3A_191 = arith.constant 16 : index
          %swap3A_192 = tpu.vector_load %arg7[%swap3A_190, %swap3A_191] {strides = array<i32>} : memref<200x128xf32, #tpu.memory_space<vmem>>, vector<1x16xf32>,
          %swap3A_193 = vector.shape_cast %swap3A_192 : vector<1x16xf32> to vector<16xf32>
          %swap3A_194 = vector.shape_cast %add3A_189 : vector<16xf32> to vector<1x16xf32>
          tpu.vector_store %arg7[%swap3A_190, %swap3A_191], %swap3A_194 {strides = array<i32>} : memref<200x128xf32, #tpu.memory_space<vmem>>, vector<1x16xf32>,
          %get3A_195 = arith.index_cast %sub3A_167 : i32 to index
          %get3A_196 = arith.constant 32 : index
          %get3A_197 = tpu.vector_load %arg7[%get3A_195, %get3A_196] {strides = array<i32>} : memref<200x128xf32, #tpu.memory_space<vmem>>, vector<1x16xf32>,
          %get3A_198 = vector.shape_cast %get3A_197 : vector<1x16xf32> to vector<16xf32>
          %get3A_199 = arith.index_cast %while3A_159 : i32 to index
          %get3A_200 = arith.constant 32 : index
          %get3A_201 = tpu.vector_load %arg9[%get3A_199, %get3A_200] {strides = array<i32>} : memref<128x128xf32, #tpu.memory_space<vmem>>, vector<1x16xf32>,
          %get3A_202 = vector.shape_cast %get3A_201 : vector<1x16xf32> to vector<16xf32>
          %add3A_203 = arith.addf %get3A_198, %get3A_202 : vector<16xf32>
          %swap3A_204 = arith.index_cast %sub3A_167 : i32 to index
          %swap3A_205 = arith.constant 32 : index
          %swap3A_206 = tpu.vector_load %arg7[%swap3A_204, %swap3A_205] {strides = array<i32>} : memref<200x128xf32, #tpu.memory_space<vmem>>, vector<1x16xf32>,
          %swap3A_207 = vector.shape_cast %swap3A_206 : vector<1x16xf32> to vector<16xf32>
          %swap3A_208 = vector.shape_cast %add3A_203 : vector<16xf32> to vector<1x16xf32>
          tpu.vector_store %arg7[%swap3A_204, %swap3A_205], %swap3A_208 {strides = array<i32>} : memref<200x128xf32, #tpu.memory_space<vmem>>, vector<1x16xf32>,
          %get3A_209 = arith.index_cast %sub3A_167 : i32 to index
          %get3A_210 = arith.constant 48 : index
          %get3A_211 = tpu.vector_load %arg7[%get3A_209, %get3A_210] {strides = array<i32>} : memref<200x128xf32, #tpu.memory_space<vmem>>, vector<1x16xf32>,
          %get3A_212 = vector.shape_cast %get3A_211 : vector<1x16xf32> to vector<16xf32>
          %get3A_213 = arith.index_cast %while3A_159 : i32 to index
          %get3A_214 = arith.constant 48 : index
          %get3A_215 = tpu.vector_load %arg9[%get3A_213, %get3A_214] {strides = array<i32>} : memref<128x128xf32, #tpu.memory_space<vmem>>, vector<1x16xf32>,
          %get3A_216 = vector.shape_cast %get3A_215 : vector<1x16xf32> to vector<16xf32>
          %add3A_217 = arith.addf %get3A_212, %get3A_216 : vector<16xf32>
          %swap3A_218 = arith.index_cast %sub3A_167 : i32 to index
          %swap3A_219 = arith.constant 48 : index
          %swap3A_220 = tpu.vector_load %arg7[%swap3A_218, %swap3A_219] {strides = array<i32>} : memref<200x128xf32, #tpu.memory_space<vmem>>, vector<1x16xf32>,
          %swap3A_221 = vector.shape_cast %swap3A_220 : vector<1x16xf32> to vector<16xf32>
          %swap3A_222 = vector.shape_cast %add3A_217 : vector<16xf32> to vector<1x16xf32>
          tpu.vector_store %arg7[%swap3A_218, %swap3A_219], %swap3A_222 {strides = array<i32>} : memref<200x128xf32, #tpu.memory_space<vmem>>, vector<1x16xf32>,
          %get3A_223 = arith.index_cast %sub3A_167 : i32 to index
          %get3A_224 = arith.constant 64 : index
          %get3A_225 = tpu.vector_load %arg7[%get3A_223, %get3A_224] {strides = array<i32>} : memref<200x128xf32, #tpu.memory_space<vmem>>, vector<1x16xf32>,
          %get3A_226 = vector.shape_cast %get3A_225 : vector<1x16xf32> to vector<16xf32>
          %get3A_227 = arith.index_cast %while3A_159 : i32 to index
          %get3A_228 = arith.constant 64 : index
          %get3A_229 = tpu.vector_load %arg9[%get3A_227, %get3A_228] {strides = array<i32>} : memref<128x128xf32, #tpu.memory_space<vmem>>, vector<1x16xf32>,
          %get3A_230 = vector.shape_cast %get3A_229 : vector<1x16xf32> to vector<16xf32>
          %add3A_231 = arith.addf %get3A_226, %get3A_230 : vector<16xf32>
          %swap3A_232 = arith.index_cast %sub3A_167 : i32 to index
          %swap3A_233 = arith.constant 64 : index
          %swap3A_234 = tpu.vector_load %arg7[%swap3A_232, %swap3A_233] {strides = array<i32>} : memref<200x128xf32, #tpu.memory_space<vmem>>, vector<1x16xf32>,
          %swap3A_235 = vector.shape_cast %swap3A_234 : vector<1x16xf32> to vector<16xf32>
          %swap3A_236 = vector.shape_cast %add3A_231 : vector<16xf32> to vector<1x16xf32>
          tpu.vector_store %arg7[%swap3A_232, %swap3A_233], %swap3A_236 {strides = array<i32>} : memref<200x128xf32, #tpu.memory_space<vmem>>, vector<1x16xf32>,
          %get3A_237 = arith.index_cast %sub3A_167 : i32 to index
          %get3A_238 = arith.constant 80 : index
          %get3A_239 = tpu.vector_load %arg7[%get3A_237, %get3A_238] {strides = array<i32>} : memref<200x128xf32, #tpu.memory_space<vmem>>, vector<1x16xf32>,
          %get3A_240 = vector.shape_cast %get3A_239 : vector<1x16xf32> to vector<16xf32>
          %get3A_241 = arith.index_cast %while3A_159 : i32 to index
          %get3A_242 = arith.constant 80 : index
          %get3A_243 = tpu.vector_load %arg9[%get3A_241, %get3A_242] {strides = array<i32>} : memref<128x128xf32, #tpu.memory_space<vmem>>, vector<1x16xf32>,
          %get3A_244 = vector.shape_cast %get3A_243 : vector<1x16xf32> to vector<16xf32>
          %add3A_245 = arith.addf %get3A_240, %get3A_244 : vector<16xf32>
          %swap3A_246 = arith.index_cast %sub3A_167 : i32 to index
          %swap3A_247 = arith.constant 80 : index
          %swap3A_248 = tpu.vector_load %arg7[%swap3A_246, %swap3A_247] {strides = array<i32>} : memref<200x128xf32, #tpu.memory_space<vmem>>, vector<1x16xf32>,
          %swap3A_249 = vector.shape_cast %swap3A_248 : vector<1x16xf32> to vector<16xf32>
          %swap3A_250 = vector.shape_cast %add3A_245 : vector<16xf32> to vector<1x16xf32>
          tpu.vector_store %arg7[%swap3A_246, %swap3A_247], %swap3A_250 {strides = array<i32>} : memref<200x128xf32, #tpu.memory_space<vmem>>, vector<1x16xf32>,
          %get3A_251 = arith.index_cast %sub3A_167 : i32 to index
          %get3A_252 = arith.constant 96 : index
          %get3A_253 = tpu.vector_load %arg7[%get3A_251, %get3A_252] {strides = array<i32>} : memref<200x128xf32, #tpu.memory_space<vmem>>, vector<1x16xf32>,
          %get3A_254 = vector.shape_cast %get3A_253 : vector<1x16xf32> to vector<16xf32>
          %get3A_255 = arith.index_cast %while3A_159 : i32 to index
          %get3A_256 = arith.constant 96 : index
          %get3A_257 = tpu.vector_load %arg9[%get3A_255, %get3A_256] {strides = array<i32>} : memref<128x128xf32, #tpu.memory_space<vmem>>, vector<1x16xf32>,
          %get3A_258 = vector.shape_cast %get3A_257 : vector<1x16xf32> to vector<16xf32>
          %add3A_259 = arith.addf %get3A_254, %get3A_258 : vector<16xf32>
          %swap3A_260 = arith.index_cast %sub3A_167 : i32 to index
          %swap3A_261 = arith.constant 96 : index
          %swap3A_262 = tpu.vector_load %arg7[%swap3A_260, %swap3A_261] {strides = array<i32>} : memref<200x128xf32, #tpu.memory_space<vmem>>, vector<1x16xf32>,
          %swap3A_263 = vector.shape_cast %swap3A_262 : vector<1x16xf32> to vector<16xf32>
          %swap3A_264 = vector.shape_cast %add3A_259 : vector<16xf32> to vector<1x16xf32>
          tpu.vector_store %arg7[%swap3A_260, %swap3A_261], %swap3A_264 {strides = array<i32>} : memref<200x128xf32, #tpu.memory_space<vmem>>, vector<1x16xf32>,
          %get3A_265 = arith.index_cast %sub3A_167 : i32 to index
          %get3A_266 = arith.constant 112 : index
          %get3A_267 = tpu.vector_load %arg7[%get3A_265, %get3A_266] {strides = array<i32>} : memref<200x128xf32, #tpu.memory_space<vmem>>, vector<1x16xf32>,
          %get3A_268 = vector.shape_cast %get3A_267 : vector<1x16xf32> to vector<16xf32>
          %get3A_269 = arith.index_cast %while3A_159 : i32 to index
          %get3A_270 = arith.constant 112 : index
          %get3A_271 = tpu.vector_load %arg9[%get3A_269, %get3A_270] {strides = array<i32>} : memref<128x128xf32, #tpu.memory_space<vmem>>, vector<1x16xf32>,
          %get3A_272 = vector.shape_cast %get3A_271 : vector<1x16xf32> to vector<16xf32>
          %add3A_273 = arith.addf %get3A_268, %get3A_272 : vector<16xf32>
          %swap3A_274 = arith.index_cast %sub3A_167 : i32 to index
          %swap3A_275 = arith.constant 112 : index
          %swap3A_276 = tpu.vector_load %arg7[%swap3A_274, %swap3A_275] {strides = array<i32>} : memref<200x128xf32, #tpu.memory_space<vmem>>, vector<1x16xf32>,
          %swap3A_277 = vector.shape_cast %swap3A_276 : vector<1x16xf32> to vector<16xf32>
          %swap3A_278 = vector.shape_cast %add3A_273 : vector<16xf32> to vector<1x16xf32>
          tpu.vector_store %arg7[%swap3A_274, %swap3A_275], %swap3A_278 {strides = array<i32>} : memref<200x128xf32, #tpu.memory_space<vmem>>, vector<1x16xf32>,
          %while3A_279 = arith.constant 0 : i32
          scf.yield %while3A_279 : i32
        }
        %while3A_150 = arith.constant 1 : i32
        %while3A_151 = scf.for %while3A_159 = %while3A_147 to %while3A_143 step %while3A_150 iter_args(%while3A_160 = %while3A_149) -> (i32)  : i32 {
          %get3A_161 = arith.index_cast %while3A_159 : i32 to index
          %get3A_162 = arith.constant 0 : index
          %get3A_163 = tpu.vector_load %arg11[%get3A_161, %get3A_162] {strides = array<i32>} : memref<128x16xi32, #tpu.memory_space<vmem>>, vector<1x16xi32>,
          %get3A_164 = vector.shape_cast %get3A_163 : vector<1x16xi32> to vector<16xi32>
          %slice3A_165 = vector.extract_strided_slice %get3A_164 {offsets = [0], sizes = [1], strides = [1]} : vector<16xi32> to vector<1xi32>
          %squeeze3A_166 = vector.extract %slice3A_165[0] : i32 from vector<1xi32>
          %sub3A_167 = arith.subi %squeeze3A_166, %add3A_35 : i32
          %get3A_168 = arith.index_cast %sub3A_167 : i32 to index
          %get3A_169 = arith.constant 0 : index
          %get3A_170 = tpu.vector_load %arg7[%get3A_168, %get3A_169] {strides = array<i32>} : memref<200x128xf32, #tpu.memory_space<vmem>>, vector<1x16xf32>,
          %get3A_171 = vector.shape_cast %get3A_170 : vector<1x16xf32> to vector<16xf32>
          %get3A_172 = arith.index_cast %while3A_159 : i32 to index
          %get3A_173 = arith.constant 0 : index
          %get3A_174 = tpu.vector_load %arg9[%get3A_172, %get3A_173] {strides = array<i32>} : memref<128x128xf32, #tpu.memory_space<vmem>>, vector<1x16xf32>,
          %get3A_175 = vector.shape_cast %get3A_174 : vector<1x16xf32> to vector<16xf32>
          %add3A_176 = arith.addf %get3A_171, %get3A_175 : vector<16xf32>
          %swap3A = arith.index_cast %sub3A_167 : i32 to index
          %swap3A_177 = arith.constant 0 : index
          %swap3A_178 = tpu.vector_load %arg7[%swap3A, %swap3A_177] {strides = array<i32>} : memref<200x128xf32, #tpu.memory_space<vmem>>, vector<1x16xf32>,
          %swap3A_179 = vector.shape_cast %swap3A_178 : vector<1x16xf32> to vector<16xf32>
          %swap3A_180 = vector.shape_cast %add3A_176 : vector<16xf32> to vector<1x16xf32>
          tpu.vector_store %arg7[%swap3A, %swap3A_177], %swap3A_180 {strides = array<i32>} : memref<200x128xf32, #tpu.memory_space<vmem>>, vector<1x16xf32>,
          %get3A_181 = arith.index_cast %sub3A_167 : i32 to index
          %get3A_182 = arith.constant 16 : index
          %get3A_183 = tpu.vector_load %arg7[%get3A_181, %get3A_182] {strides = array<i32>} : memref<200x128xf32, #tpu.memory_space<vmem>>, vector<1x16xf32>,
          %get3A_184 = vector.shape_cast %get3A_183 : vector<1x16xf32> to vector<16xf32>
          %get3A_185 = arith.index_cast %while3A_159 : i32 to index
          %get3A_186 = arith.constant 16 : index
          %get3A_187 = tpu.vector_load %arg9[%get3A_185, %get3A_186] {strides = array<i32>} : memref<128x128xf32, #tpu.memory_space<vmem>>, vector<1x16xf32>,
          %get3A_188 = vector.shape_cast %get3A_187 : vector<1x16xf32> to vector<16xf32>
          %add3A_189 = arith.addf %get3A_184, %get3A_188 : vector<16xf32>
          %swap3A_190 = arith.index_cast %sub3A_167 : i32 to index
          %swap3A_191 = arith.constant 16 : index
          %swap3A_192 = tpu.vector_load %arg7[%swap3A_190, %swap3A_191] {strides = array<i32>} : memref<200x128xf32, #tpu.memory_space<vmem>>, vector<1x16xf32>,
          %swap3A_193 = vector.shape_cast %swap3A_192 : vector<1x16xf32> to vector<16xf32>
          %swap3A_194 = vector.shape_cast %add3A_189 : vector<16xf32> to vector<1x16xf32>
          tpu.vector_store %arg7[%swap3A_190, %swap3A_191], %swap3A_194 {strides = array<i32>} : memref<200x128xf32, #tpu.memory_space<vmem>>, vector<1x16xf32>,
          %get3A_195 = arith.index_cast %sub3A_167 : i32 to index
          %get3A_196 = arith.constant 32 : index
          %get3A_197 = tpu.vector_load %arg7[%get3A_195, %get3A_196] {strides = array<i32>} : memref<200x128xf32, #tpu.memory_space<vmem>>, vector<1x16xf32>,
          %get3A_198 = vector.shape_cast %get3A_197 : vector<1x16xf32> to vector<16xf32>
          %get3A_199 = arith.index_cast %while3A_159 : i32 to index
          %get3A_200 = arith.constant 32 : index
          %get3A_201 = tpu.vector_load %arg9[%get3A_199, %get3A_200] {strides = array<i32>} : memref<128x128xf32, #tpu.memory_space<vmem>>, vector<1x16xf32>,
          %get3A_202 = vector.shape_cast %get3A_201 : vector<1x16xf32> to vector<16xf32>
          %add3A_203 = arith.addf %get3A_198, %get3A_202 : vector<16xf32>
          %swap3A_204 = arith.index_cast %sub3A_167 : i32 to index
          %swap3A_205 = arith.constant 32 : index
          %swap3A_206 = tpu.vector_load %arg7[%swap3A_204, %swap3A_205] {strides = array<i32>} : memref<200x128xf32, #tpu.memory_space<vmem>>, vector<1x16xf32>,
          %swap3A_207 = vector.shape_cast %swap3A_206 : vector<1x16xf32> to vector<16xf32>
          %swap3A_208 = vector.shape_cast %add3A_203 : vector<16xf32> to vector<1x16xf32>
          tpu.vector_store %arg7[%swap3A_204, %swap3A_205], %swap3A_208 {strides = array<i32>} : memref<200x128xf32, #tpu.memory_space<vmem>>, vector<1x16xf32>,
          %get3A_209 = arith.index_cast %sub3A_167 : i32 to index
          %get3A_210 = arith.constant 48 : index
          %get3A_211 = tpu.vector_load %arg7[%get3A_209, %get3A_210] {strides = array<i32>} : memref<200x128xf32, #tpu.memory_space<vmem>>, vector<1x16xf32>,
          %get3A_212 = vector.shape_cast %get3A_211 : vector<1x16xf32> to vector<16xf32>
          %get3A_213 = arith.index_cast %while3A_159 : i32 to index
          %get3A_214 = arith.constant 48 : index
          %get3A_215 = tpu.vector_load %arg9[%get3A_213, %get3A_214] {strides = array<i32>} : memref<128x128xf32, #tpu.memory_space<vmem>>, vector<1x16xf32>,
          %get3A_216 = vector.shape_cast %get3A_215 : vector<1x16xf32> to vector<16xf32>
          %add3A_217 = arith.addf %get3A_212, %get3A_216 : vector<16xf32>
          %swap3A_218 = arith.index_cast %sub3A_167 : i32 to index
          %swap3A_219 = arith.constant 48 : index
          %swap3A_220 = tpu.vector_load %arg7[%swap3A_218, %swap3A_219] {strides = array<i32>} : memref<200x128xf32, #tpu.memory_space<vmem>>, vector<1x16xf32>,
          %swap3A_221 = vector.shape_cast %swap3A_220 : vector<1x16xf32> to vector<16xf32>
          %swap3A_222 = vector.shape_cast %add3A_217 : vector<16xf32> to vector<1x16xf32>
          tpu.vector_store %arg7[%swap3A_218, %swap3A_219], %swap3A_222 {strides = array<i32>} : memref<200x128xf32, #tpu.memory_space<vmem>>, vector<1x16xf32>,
          %get3A_223 = arith.index_cast %sub3A_167 : i32 to index
          %get3A_224 = arith.constant 64 : index
          %get3A_225 = tpu.vector_load %arg7[%get3A_223, %get3A_224] {strides = array<i32>} : memref<200x128xf32, #tpu.memory_space<vmem>>, vector<1x16xf32>,
          %get3A_226 = vector.shape_cast %get3A_225 : vector<1x16xf32> to vector<16xf32>
          %get3A_227 = arith.index_cast %while3A_159 : i32 to index
          %get3A_228 = arith.constant 64 : index
          %get3A_229 = tpu.vector_load %arg9[%get3A_227, %get3A_228] {strides = array<i32>} : memref<128x128xf32, #tpu.memory_space<vmem>>, vector<1x16xf32>,
          %get3A_230 = vector.shape_cast %get3A_229 : vector<1x16xf32> to vector<16xf32>
          %add3A_231 = arith.addf %get3A_226, %get3A_230 : vector<16xf32>
          %swap3A_232 = arith.index_cast %sub3A_167 : i32 to index
          %swap3A_233 = arith.constant 64 : index
          %swap3A_234 = tpu.vector_load %arg7[%swap3A_232, %swap3A_233] {strides = array<i32>} : memref<200x128xf32, #tpu.memory_space<vmem>>, vector<1x16xf32>,
          %swap3A_235 = vector.shape_cast %swap3A_234 : vector<1x16xf32> to vector<16xf32>
          %swap3A_236 = vector.shape_cast %add3A_231 : vector<16xf32> to vector<1x16xf32>
          tpu.vector_store %arg7[%swap3A_232, %swap3A_233], %swap3A_236 {strides = array<i32>} : memref<200x128xf32, #tpu.memory_space<vmem>>, vector<1x16xf32>,
          %get3A_237 = arith.index_cast %sub3A_167 : i32 to index
          %get3A_238 = arith.constant 80 : index
          %get3A_239 = tpu.vector_load %arg7[%get3A_237, %get3A_238] {strides = array<i32>} : memref<200x128xf32, #tpu.memory_space<vmem>>, vector<1x16xf32>,
          %get3A_240 = vector.shape_cast %get3A_239 : vector<1x16xf32> to vector<16xf32>
          %get3A_241 = arith.index_cast %while3A_159 : i32 to index
          %get3A_242 = arith.constant 80 : index
          %get3A_243 = tpu.vector_load %arg9[%get3A_241, %get3A_242] {strides = array<i32>} : memref<128x128xf32, #tpu.memory_space<vmem>>, vector<1x16xf32>,
          %get3A_244 = vector.shape_cast %get3A_243 : vector<1x16xf32> to vector<16xf32>
          %add3A_245 = arith.addf %get3A_240, %get3A_244 : vector<16xf32>
          %swap3A_246 = arith.index_cast %sub3A_167 : i32 to index
          %swap3A_247 = arith.constant 80 : index
          %swap3A_248 = tpu.vector_load %arg7[%swap3A_246, %swap3A_247] {strides = array<i32>} : memref<200x128xf32, #tpu.memory_space<vmem>>, vector<1x16xf32>,
          %swap3A_249 = vector.shape_cast %swap3A_248 : vector<1x16xf32> to vector<16xf32>
          %swap3A_250 = vector.shape_cast %add3A_245 : vector<16xf32> to vector<1x16xf32>
          tpu.vector_store %arg7[%swap3A_246, %swap3A_247], %swap3A_250 {strides = array<i32>} : memref<200x128xf32, #tpu.memory_space<vmem>>, vector<1x16xf32>,
          %get3A_251 = arith.index_cast %sub3A_167 : i32 to index
          %get3A_252 = arith.constant 96 : index
          %get3A_253 = tpu.vector_load %arg7[%get3A_251, %get3A_252] {strides = array<i32>} : memref<200x128xf32, #tpu.memory_space<vmem>>, vector<1x16xf32>,
          %get3A_254 = vector.shape_cast %get3A_253 : vector<1x16xf32> to vector<16xf32>
          %get3A_255 = arith.index_cast %while3A_159 : i32 to index
          %get3A_256 = arith.constant 96 : index
          %get3A_257 = tpu.vector_load %arg9[%get3A_255, %get3A_256] {strides = array<i32>} : memref<128x128xf32, #tpu.memory_space<vmem>>, vector<1x16xf32>,
          %get3A_258 = vector.shape_cast %get3A_257 : vector<1x16xf32> to vector<16xf32>
          %add3A_259 = arith.addf %get3A_254, %get3A_258 : vector<16xf32>
          %swap3A_260 = arith.index_cast %sub3A_167 : i32 to index
          %swap3A_261 = arith.constant 96 : index
          %swap3A_262 = tpu.vector_load %arg7[%swap3A_260, %swap3A_261] {strides = array<i32>} : memref<200x128xf32, #tpu.memory_space<vmem>>, vector<1x16xf32>,
          %swap3A_263 = vector.shape_cast %swap3A_262 : vector<1x16xf32> to vector<16xf32>
          %swap3A_264 = vector.shape_cast %add3A_259 : vector<16xf32> to vector<1x16xf32>
          tpu.vector_store %arg7[%swap3A_260, %swap3A_261], %swap3A_264 {strides = array<i32>} : memref<200x128xf32, #tpu.memory_space<vmem>>, vector<1x16xf32>,
          %get3A_265 = arith.index_cast %sub3A_167 : i32 to index
          %get3A_266 = arith.constant 112 : index
          %get3A_267 = tpu.vector_load %arg7[%get3A_265, %get3A_266] {strides = array<i32>} : memref<200x128xf32, #tpu.memory_space<vmem>>, vector<1x16xf32>,
          %get3A_268 = vector.shape_cast %get3A_267 : vector<1x16xf32> to vector<16xf32>
          %get3A_269 = arith.index_cast %while3A_159 : i32 to index
          %get3A_270 = arith.constant 112 : index
          %get3A_271 = tpu.vector_load %arg9[%get3A_269, %get3A_270] {strides = array<i32>} : memref<128x128xf32, #tpu.memory_space<vmem>>, vector<1x16xf32>,
          %get3A_272 = vector.shape_cast %get3A_271 : vector<1x16xf32> to vector<16xf32>
          %add3A_273 = arith.addf %get3A_268, %get3A_272 : vector<16xf32>
          %swap3A_274 = arith.index_cast %sub3A_167 : i32 to index
          %swap3A_275 = arith.constant 112 : index
          %swap3A_276 = tpu.vector_load %arg7[%swap3A_274, %swap3A_275] {strides = array<i32>} : memref<200x128xf32, #tpu.memory_space<vmem>>, vector<1x16xf32>,
          %swap3A_277 = vector.shape_cast %swap3A_276 : vector<1x16xf32> to vector<16xf32>
          %swap3A_278 = vector.shape_cast %add3A_273 : vector<16xf32> to vector<1x16xf32>
          tpu.vector_store %arg7[%swap3A_274, %swap3A_275], %swap3A_278 {strides = array<i32>} : memref<200x128xf32, #tpu.memory_space<vmem>>, vector<1x16xf32>,
          %while3A_279 = arith.constant 0 : i32
          scf.yield %while3A_279 : i32
        }
        %add3A_152 = arith.constant 1 : i32
        %add3A_153 = arith.addi %mul3A_126, %add3A_152 : i32
        %lt3A_154 = arith.cmpi slt, %add3A_153, %select_n3A_82 : i32
        %convert_element_type3A_155 = arith.extui %lt3A_154 : i1 to i32
        %cond3A_156 = arith.constant 0 : i32
        %cond3A_157 = arith.cmpi ne, %convert_element_type3A_155, %cond3A_156 : i32
        scf.if %cond3A_157 {
          %dma_wait3A_159 = arith.constant 0 : i32
          %dma_wait3A_160 = arith.constant 0 : i32
          %dma_wait3A_161 = tpu.memref_slice %arg2[%dma_wait3A_159, %dma_wait3A_160] : memref<160000x128xf32, #tpu.memory_space<hbm>> -> memref<160000x128xf32, #tpu.memory_space<hbm>>
          tpu.wait_indirect_dma semaphore(%arg17 : memref<!tpu.dma_semaphore, #tpu.memory_space<semaphore_mem>>) src(%dma_wait3A_161 : memref<160000x128xf32, #tpu.memory_space<hbm>>) dst(%arg12 : memref<128x128xf32, #tpu.memory_space<vmem>>)
          %add3A_162 = arith.constant 2 : i32
          %add3A_163 = arith.addi %mul3A_126, %add3A_162 : i32
          %lt3A_164 = arith.cmpi slt, %add3A_163, %select_n3A_82 : i32
          %convert_element_type3A_165 = arith.extui %lt3A_164 : i1 to i32
          %cond3A_166 = arith.constant 0 : i32
          %cond3A_167 = arith.cmpi ne, %convert_element_type3A_165, %cond3A_166 : i32
          scf.if %cond3A_167 {
            %add3A_187 = arith.constant 256 : i32
            %add3A_188 = arith.addi %add3A_129, %add3A_187 : i32
            "tpu.region"() ({
              %run_scoped3A = tpu.sem_alloc : memref<!tpu.dma_semaphore, #tpu.memory_space<semaphore_mem>>
              %dma_start3A_191 = tpu.memref_slice %arg3[%add3A_188] : memref<160128xi32, #tpu.memory_space<hbm>> -> memref<128xi32, #tpu.memory_space<hbm>>
              %dma_start3A_192 = tpu.memref_slice %arg3[%add3A_188] : memref<160128xi32, #tpu.memory_space<hbm>> -> memref<128xi32, #tpu.memory_space<hbm>>
              tpu.enqueue_dma source(%dma_start3A_192 : memref<128xi32, #tpu.memory_space<hbm>>) target(%arg10 : memref<128xi32, #tpu.memory_space<vmem>>) target_semaphore(%run_scoped3A : memref<!tpu.dma_semaphore, #tpu.memory_space<semaphore_mem>>)
              %dma_wait3A_193 = tpu.memref_slice %arg3[%add3A_188] : memref<160128xi32, #tpu.memory_space<hbm>> -> memref<128xi32, #tpu.memory_space<hbm>>
              %dma_wait3A_194 = tpu.memref_slice %arg3[%add3A_188] : memref<160128xi32, #tpu.memory_space<hbm>> -> memref<128xi32, #tpu.memory_space<hbm>>
              tpu.wait_dma2 semaphore(%run_scoped3A : memref<!tpu.dma_semaphore, #tpu.memory_space<semaphore_mem>>) src(%dma_wait3A_194 : memref<128xi32, #tpu.memory_space<hbm>>) dst(%arg10 : memref<128xi32, #tpu.memory_space<vmem>>)
              tpu.yield
            }) : () -> ()
            "tpu.region"() ({
              %run_scoped3A = tpu.sem_alloc : memref<!tpu.dma_semaphore, #tpu.memory_space<semaphore_mem>>
              %dma_start3A_191 = arith.constant 0 : i32
              %dma_start3A_192 = tpu.memref_slice %arg4[%add3A_188, %dma_start3A_191] : memref<160128x16xi32, #tpu.memory_space<hbm>> -> memref<128x16xi32, #tpu.memory_space<hbm>>
              %dma_start3A_193 = arith.constant 0 : i32
              %dma_start3A_194 = tpu.memref_slice %arg4[%add3A_188, %dma_start3A_193] : memref<160128x16xi32, #tpu.memory_space<hbm>> -> memref<128x16xi32, #tpu.memory_space<hbm>>
              tpu.enqueue_dma source(%dma_start3A_194 : memref<128x16xi32, #tpu.memory_space<hbm>>) target(%arg11 : memref<128x16xi32, #tpu.memory_space<vmem>>) target_semaphore(%run_scoped3A : memref<!tpu.dma_semaphore, #tpu.memory_space<semaphore_mem>>)
              %dma_wait3A_195 = arith.constant 0 : i32
              %dma_wait3A_196 = tpu.memref_slice %arg4[%add3A_188, %dma_wait3A_195] : memref<160128x16xi32, #tpu.memory_space<hbm>> -> memref<128x16xi32, #tpu.memory_space<hbm>>
              %dma_wait3A_197 = arith.constant 0 : i32
              %dma_wait3A_198 = tpu.memref_slice %arg4[%add3A_188, %dma_wait3A_197] : memref<160128x16xi32, #tpu.memory_space<hbm>> -> memref<128x16xi32, #tpu.memory_space<hbm>>
              tpu.wait_dma2 semaphore(%run_scoped3A : memref<!tpu.dma_semaphore, #tpu.memory_space<semaphore_mem>>) src(%dma_wait3A_198 : memref<128x16xi32, #tpu.memory_space<hbm>>) dst(%arg11 : memref<128x16xi32, #tpu.memory_space<vmem>>)
              tpu.yield
            }) : () -> ()
            %dma_start3A = arith.constant 0 : i32
            %dma_start3A_189 = arith.constant 0 : i32
            %dma_start3A_190 = tpu.memref_slice %arg2[%dma_start3A, %dma_start3A_189] : memref<160000x128xf32, #tpu.memory_space<hbm>> -> memref<160000x128xf32, #tpu.memory_space<hbm>>
            tpu.enqueue_indirect_dma source(%dma_start3A_190 : memref<160000x128xf32, #tpu.memory_space<hbm>>) target(%arg9 : memref<128x128xf32, #tpu.memory_space<vmem>>) offsets(%arg10 : memref<128xi32, #tpu.memory_space<vmem>>) semaphore(%arg16 : memref<!tpu.dma_semaphore, #tpu.memory_space<semaphore_mem>>)
          } else {
          }
          %add3A_168 = arith.constant 128 : i32
          %add3A_169 = arith.addi %add3A_129, %add3A_168 : i32
          %sub3A_170 = arith.subi %squeeze3A, %add3A_169 : i32
          %max3A_171 = arith.constant 0 : i32
          %max3A_172 = arith.maxsi %sub3A_170, %max3A_171 : i32
          %sub3A_173 = arith.subi %squeeze3A_30, %add3A_169 : i32
          %min3A_174 = arith.constant 128 : i32
          %min3A_175 = arith.minsi %sub3A_173, %min3A_174 : i32
          %while3A_176 = arith.constant 0 : i32
          %while3A_177 = arith.subi %min3A_175, %max3A_172 : i32
          %while3A_178 = arith.addi %max3A_172, %while3A_177 : i32
          %while3A_179 = arith.constant 1 : i32
          %while3A_180 = arith.divsi %while3A_177, %while3A_179 : i32
          %while3A_181 = arith.muli %while3A_180, %while3A_179 : i32
          %while3A_182 = arith.addi %max3A_172, %while3A_181 : i32
          %while3A_183 = arith.constant 1 : i32
          %while3A_184 = scf.for %while3A_187 = %max3A_172 to %while3A_182 step %while3A_183 iter_args(%while3A_188 = %while3A_176) -> (i32)  : i32 {
            %get3A_189 = arith.index_cast %while3A_187 : i32 to index
            %get3A_190 = arith.constant 0 : index
            %get3A_191 = tpu.vector_load %arg14[%get3A_189, %get3A_190] {strides = array<i32>} : memref<128x16xi32, #tpu.memory_space<vmem>>, vector<1x16xi32>,
            %get3A_192 = vector.shape_cast %get3A_191 : vector<1x16xi32> to vector<16xi32>
            %slice3A_193 = vector.extract_strided_slice %get3A_192 {offsets = [0], sizes = [1], strides = [1]} : vector<16xi32> to vector<1xi32>
            %squeeze3A_194 = vector.extract %slice3A_193[0] : i32 from vector<1xi32>
            %sub3A_195 = arith.subi %squeeze3A_194, %add3A_35 : i32
            %get3A_196 = arith.index_cast %sub3A_195 : i32 to index
            %get3A_197 = arith.constant 0 : index
            %get3A_198 = tpu.vector_load %arg7[%get3A_196, %get3A_197] {strides = array<i32>} : memref<200x128xf32, #tpu.memory_space<vmem>>, vector<1x16xf32>,
            %get3A_199 = vector.shape_cast %get3A_198 : vector<1x16xf32> to vector<16xf32>
            %get3A_200 = arith.index_cast %while3A_187 : i32 to index
            %get3A_201 = arith.constant 0 : index
            %get3A_202 = tpu.vector_load %arg12[%get3A_200, %get3A_201] {strides = array<i32>} : memref<128x128xf32, #tpu.memory_space<vmem>>, vector<1x16xf32>,
            %get3A_203 = vector.shape_cast %get3A_202 : vector<1x16xf32> to vector<16xf32>
            %add3A_204 = arith.addf %get3A_199, %get3A_203 : vector<16xf32>
            %swap3A = arith.index_cast %sub3A_195 : i32 to index
            %swap3A_205 = arith.constant 0 : index
            %swap3A_206 = tpu.vector_load %arg7[%swap3A, %swap3A_205] {strides = array<i32>} : memref<200x128xf32, #tpu.memory_space<vmem>>, vector<1x16xf32>,
            %swap3A_207 = vector.shape_cast %swap3A_206 : vector<1x16xf32> to vector<16xf32>
            %swap3A_208 = vector.shape_cast %add3A_204 : vector<16xf32> to vector<1x16xf32>
            tpu.vector_store %arg7[%swap3A, %swap3A_205], %swap3A_208 {strides = array<i32>} : memref<200x128xf32, #tpu.memory_space<vmem>>, vector<1x16xf32>,
            %get3A_209 = arith.index_cast %sub3A_195 : i32 to index
            %get3A_210 = arith.constant 16 : index
            %get3A_211 = tpu.vector_load %arg7[%get3A_209, %get3A_210] {strides = array<i32>} : memref<200x128xf32, #tpu.memory_space<vmem>>, vector<1x16xf32>,
            %get3A_212 = vector.shape_cast %get3A_211 : vector<1x16xf32> to vector<16xf32>
            %get3A_213 = arith.index_cast %while3A_187 : i32 to index
            %get3A_214 = arith.constant 16 : index
            %get3A_215 = tpu.vector_load %arg12[%get3A_213, %get3A_214] {strides = array<i32>} : memref<128x128xf32, #tpu.memory_space<vmem>>, vector<1x16xf32>,
            %get3A_216 = vector.shape_cast %get3A_215 : vector<1x16xf32> to vector<16xf32>
            %add3A_217 = arith.addf %get3A_212, %get3A_216 : vector<16xf32>
            %swap3A_218 = arith.index_cast %sub3A_195 : i32 to index
            %swap3A_219 = arith.constant 16 : index
            %swap3A_220 = tpu.vector_load %arg7[%swap3A_218, %swap3A_219] {strides = array<i32>} : memref<200x128xf32, #tpu.memory_space<vmem>>, vector<1x16xf32>,
            %swap3A_221 = vector.shape_cast %swap3A_220 : vector<1x16xf32> to vector<16xf32>
            %swap3A_222 = vector.shape_cast %add3A_217 : vector<16xf32> to vector<1x16xf32>
            tpu.vector_store %arg7[%swap3A_218, %swap3A_219], %swap3A_222 {strides = array<i32>} : memref<200x128xf32, #tpu.memory_space<vmem>>, vector<1x16xf32>,
            %get3A_223 = arith.index_cast %sub3A_195 : i32 to index
            %get3A_224 = arith.constant 32 : index
            %get3A_225 = tpu.vector_load %arg7[%get3A_223, %get3A_224] {strides = array<i32>} : memref<200x128xf32, #tpu.memory_space<vmem>>, vector<1x16xf32>,
            %get3A_226 = vector.shape_cast %get3A_225 : vector<1x16xf32> to vector<16xf32>
            %get3A_227 = arith.index_cast %while3A_187 : i32 to index
            %get3A_228 = arith.constant 32 : index
            %get3A_229 = tpu.vector_load %arg12[%get3A_227, %get3A_228] {strides = array<i32>} : memref<128x128xf32, #tpu.memory_space<vmem>>, vector<1x16xf32>,
            %get3A_230 = vector.shape_cast %get3A_229 : vector<1x16xf32> to vector<16xf32>
            %add3A_231 = arith.addf %get3A_226, %get3A_230 : vector<16xf32>
            %swap3A_232 = arith.index_cast %sub3A_195 : i32 to index
            %swap3A_233 = arith.constant 32 : index
            %swap3A_234 = tpu.vector_load %arg7[%swap3A_232, %swap3A_233] {strides = array<i32>} : memref<200x128xf32, #tpu.memory_space<vmem>>, vector<1x16xf32>,
            %swap3A_235 = vector.shape_cast %swap3A_234 : vector<1x16xf32> to vector<16xf32>
            %swap3A_236 = vector.shape_cast %add3A_231 : vector<16xf32> to vector<1x16xf32>
            tpu.vector_store %arg7[%swap3A_232, %swap3A_233], %swap3A_236 {strides = array<i32>} : memref<200x128xf32, #tpu.memory_space<vmem>>, vector<1x16xf32>,
            %get3A_237 = arith.index_cast %sub3A_195 : i32 to index
            %get3A_238 = arith.constant 48 : index
            %get3A_239 = tpu.vector_load %arg7[%get3A_237, %get3A_238] {strides = array<i32>} : memref<200x128xf32, #tpu.memory_space<vmem>>, vector<1x16xf32>,
            %get3A_240 = vector.shape_cast %get3A_239 : vector<1x16xf32> to vector<16xf32>
            %get3A_241 = arith.index_cast %while3A_187 : i32 to index
            %get3A_242 = arith.constant 48 : index
            %get3A_243 = tpu.vector_load %arg12[%get3A_241, %get3A_242] {strides = array<i32>} : memref<128x128xf32, #tpu.memory_space<vmem>>, vector<1x16xf32>,
            %get3A_244 = vector.shape_cast %get3A_243 : vector<1x16xf32> to vector<16xf32>
            %add3A_245 = arith.addf %get3A_240, %get3A_244 : vector<16xf32>
            %swap3A_246 = arith.index_cast %sub3A_195 : i32 to index
            %swap3A_247 = arith.constant 48 : index
            %swap3A_248 = tpu.vector_load %arg7[%swap3A_246, %swap3A_247] {strides = array<i32>} : memref<200x128xf32, #tpu.memory_space<vmem>>, vector<1x16xf32>,
            %swap3A_249 = vector.shape_cast %swap3A_248 : vector<1x16xf32> to vector<16xf32>
            %swap3A_250 = vector.shape_cast %add3A_245 : vector<16xf32> to vector<1x16xf32>
            tpu.vector_store %arg7[%swap3A_246, %swap3A_247], %swap3A_250 {strides = array<i32>} : memref<200x128xf32, #tpu.memory_space<vmem>>, vector<1x16xf32>,
            %get3A_251 = arith.index_cast %sub3A_195 : i32 to index
            %get3A_252 = arith.constant 64 : index
            %get3A_253 = tpu.vector_load %arg7[%get3A_251, %get3A_252] {strides = array<i32>} : memref<200x128xf32, #tpu.memory_space<vmem>>, vector<1x16xf32>,
            %get3A_254 = vector.shape_cast %get3A_253 : vector<1x16xf32> to vector<16xf32>
            %get3A_255 = arith.index_cast %while3A_187 : i32 to index
            %get3A_256 = arith.constant 64 : index
            %get3A_257 = tpu.vector_load %arg12[%get3A_255, %get3A_256] {strides = array<i32>} : memref<128x128xf32, #tpu.memory_space<vmem>>, vector<1x16xf32>,
            %get3A_258 = vector.shape_cast %get3A_257 : vector<1x16xf32> to vector<16xf32>
            %add3A_259 = arith.addf %get3A_254, %get3A_258 : vector<16xf32>
            %swap3A_260 = arith.index_cast %sub3A_195 : i32 to index
            %swap3A_261 = arith.constant 64 : index
            %swap3A_262 = tpu.vector_load %arg7[%swap3A_260, %swap3A_261] {strides = array<i32>} : memref<200x128xf32, #tpu.memory_space<vmem>>, vector<1x16xf32>,
            %swap3A_263 = vector.shape_cast %swap3A_262 : vector<1x16xf32> to vector<16xf32>
            %swap3A_264 = vector.shape_cast %add3A_259 : vector<16xf32> to vector<1x16xf32>
            tpu.vector_store %arg7[%swap3A_260, %swap3A_261], %swap3A_264 {strides = array<i32>} : memref<200x128xf32, #tpu.memory_space<vmem>>, vector<1x16xf32>,
            %get3A_265 = arith.index_cast %sub3A_195 : i32 to index
            %get3A_266 = arith.constant 80 : index
            %get3A_267 = tpu.vector_load %arg7[%get3A_265, %get3A_266] {strides = array<i32>} : memref<200x128xf32, #tpu.memory_space<vmem>>, vector<1x16xf32>,
            %get3A_268 = vector.shape_cast %get3A_267 : vector<1x16xf32> to vector<16xf32>
            %get3A_269 = arith.index_cast %while3A_187 : i32 to index
            %get3A_270 = arith.constant 80 : index
            %get3A_271 = tpu.vector_load %arg12[%get3A_269, %get3A_270] {strides = array<i32>} : memref<128x128xf32, #tpu.memory_space<vmem>>, vector<1x16xf32>,
            %get3A_272 = vector.shape_cast %get3A_271 : vector<1x16xf32> to vector<16xf32>
            %add3A_273 = arith.addf %get3A_268, %get3A_272 : vector<16xf32>
            %swap3A_274 = arith.index_cast %sub3A_195 : i32 to index
            %swap3A_275 = arith.constant 80 : index
            %swap3A_276 = tpu.vector_load %arg7[%swap3A_274, %swap3A_275] {strides = array<i32>} : memref<200x128xf32, #tpu.memory_space<vmem>>, vector<1x16xf32>,
            %swap3A_277 = vector.shape_cast %swap3A_276 : vector<1x16xf32> to vector<16xf32>
            %swap3A_278 = vector.shape_cast %add3A_273 : vector<16xf32> to vector<1x16xf32>
            tpu.vector_store %arg7[%swap3A_274, %swap3A_275], %swap3A_278 {strides = array<i32>} : memref<200x128xf32, #tpu.memory_space<vmem>>, vector<1x16xf32>,
            %get3A_279 = arith.index_cast %sub3A_195 : i32 to index
            %get3A_280 = arith.constant 96 : index
            %get3A_281 = tpu.vector_load %arg7[%get3A_279, %get3A_280] {strides = array<i32>} : memref<200x128xf32, #tpu.memory_space<vmem>>, vector<1x16xf32>,
            %get3A_282 = vector.shape_cast %get3A_281 : vector<1x16xf32> to vector<16xf32>
            %get3A_283 = arith.index_cast %while3A_187 : i32 to index
            %get3A_284 = arith.constant 96 : index
            %get3A_285 = tpu.vector_load %arg12[%get3A_283, %get3A_284] {strides = array<i32>} : memref<128x128xf32, #tpu.memory_space<vmem>>, vector<1x16xf32>,
            %get3A_286 = vector.shape_cast %get3A_285 : vector<1x16xf32> to vector<16xf32>
            %add3A_287 = arith.addf %get3A_282, %get3A_286 : vector<16xf32>
            %swap3A_288 = arith.index_cast %sub3A_195 : i32 to index
            %swap3A_289 = arith.constant 96 : index
            %swap3A_290 = tpu.vector_load %arg7[%swap3A_288, %swap3A_289] {strides = array<i32>} : memref<200x128xf32, #tpu.memory_space<vmem>>, vector<1x16xf32>,
            %swap3A_291 = vector.shape_cast %swap3A_290 : vector<1x16xf32> to vector<16xf32>
            %swap3A_292 = vector.shape_cast %add3A_287 : vector<16xf32> to vector<1x16xf32>
            tpu.vector_store %arg7[%swap3A_288, %swap3A_289], %swap3A_292 {strides = array<i32>} : memref<200x128xf32, #tpu.memory_space<vmem>>, vector<1x16xf32>,
            %get3A_293 = arith.index_cast %sub3A_195 : i32 to index
            %get3A_294 = arith.constant 112 : index
            %get3A_295 = tpu.vector_load %arg7[%get3A_293, %get3A_294] {strides = array<i32>} : memref<200x128xf32, #tpu.memory_space<vmem>>, vector<1x16xf32>,
            %get3A_296 = vector.shape_cast %get3A_295 : vector<1x16xf32> to vector<16xf32>
            %get3A_297 = arith.index_cast %while3A_187 : i32 to index
            %get3A_298 = arith.constant 112 : index
            %get3A_299 = tpu.vector_load %arg12[%get3A_297, %get3A_298] {strides = array<i32>} : memref<128x128xf32, #tpu.memory_space<vmem>>, vector<1x16xf32>,
            %get3A_300 = vector.shape_cast %get3A_299 : vector<1x16xf32> to vector<16xf32>
            %add3A_301 = arith.addf %get3A_296, %get3A_300 : vector<16xf32>
            %swap3A_302 = arith.index_cast %sub3A_195 : i32 to index
            %swap3A_303 = arith.constant 112 : index
            %swap3A_304 = tpu.vector_load %arg7[%swap3A_302, %swap3A_303] {strides = array<i32>} : memref<200x128xf32, #tpu.memory_space<vmem>>, vector<1x16xf32>,
            %swap3A_305 = vector.shape_cast %swap3A_304 : vector<1x16xf32> to vector<16xf32>
            %swap3A_306 = vector.shape_cast %add3A_301 : vector<16xf32> to vector<1x16xf32>
            tpu.vector_store %arg7[%swap3A_302, %swap3A_303], %swap3A_306 {strides = array<i32>} : memref<200x128xf32, #tpu.memory_space<vmem>>, vector<1x16xf32>,
            %while3A_307 = arith.constant 0 : i32
            scf.yield %while3A_307 : i32
          }
          %while3A_185 = arith.constant 1 : i32
          %while3A_186 = scf.for %while3A_187 = %while3A_182 to %while3A_178 step %while3A_185 iter_args(%while3A_188 = %while3A_184) -> (i32)  : i32 {
            %get3A_189 = arith.index_cast %while3A_187 : i32 to index
            %get3A_190 = arith.constant 0 : index
            %get3A_191 = tpu.vector_load %arg14[%get3A_189, %get3A_190] {strides = array<i32>} : memref<128x16xi32, #tpu.memory_space<vmem>>, vector<1x16xi32>,
            %get3A_192 = vector.shape_cast %get3A_191 : vector<1x16xi32> to vector<16xi32>
            %slice3A_193 = vector.extract_strided_slice %get3A_192 {offsets = [0], sizes = [1], strides = [1]} : vector<16xi32> to vector<1xi32>
            %squeeze3A_194 = vector.extract %slice3A_193[0] : i32 from vector<1xi32>
            %sub3A_195 = arith.subi %squeeze3A_194, %add3A_35 : i32
            %get3A_196 = arith.index_cast %sub3A_195 : i32 to index
            %get3A_197 = arith.constant 0 : index
            %get3A_198 = tpu.vector_load %arg7[%get3A_196, %get3A_197] {strides = array<i32>} : memref<200x128xf32, #tpu.memory_space<vmem>>, vector<1x16xf32>,
            %get3A_199 = vector.shape_cast %get3A_198 : vector<1x16xf32> to vector<16xf32>
            %get3A_200 = arith.index_cast %while3A_187 : i32 to index
            %get3A_201 = arith.constant 0 : index
            %get3A_202 = tpu.vector_load %arg12[%get3A_200, %get3A_201] {strides = array<i32>} : memref<128x128xf32, #tpu.memory_space<vmem>>, vector<1x16xf32>,
            %get3A_203 = vector.shape_cast %get3A_202 : vector<1x16xf32> to vector<16xf32>
            %add3A_204 = arith.addf %get3A_199, %get3A_203 : vector<16xf32>
            %swap3A = arith.index_cast %sub3A_195 : i32 to index
            %swap3A_205 = arith.constant 0 : index
            %swap3A_206 = tpu.vector_load %arg7[%swap3A, %swap3A_205] {strides = array<i32>} : memref<200x128xf32, #tpu.memory_space<vmem>>, vector<1x16xf32>,
            %swap3A_207 = vector.shape_cast %swap3A_206 : vector<1x16xf32> to vector<16xf32>
            %swap3A_208 = vector.shape_cast %add3A_204 : vector<16xf32> to vector<1x16xf32>
            tpu.vector_store %arg7[%swap3A, %swap3A_205], %swap3A_208 {strides = array<i32>} : memref<200x128xf32, #tpu.memory_space<vmem>>, vector<1x16xf32>,
            %get3A_209 = arith.index_cast %sub3A_195 : i32 to index
            %get3A_210 = arith.constant 16 : index
            %get3A_211 = tpu.vector_load %arg7[%get3A_209, %get3A_210] {strides = array<i32>} : memref<200x128xf32, #tpu.memory_space<vmem>>, vector<1x16xf32>,
            %get3A_212 = vector.shape_cast %get3A_211 : vector<1x16xf32> to vector<16xf32>
            %get3A_213 = arith.index_cast %while3A_187 : i32 to index
            %get3A_214 = arith.constant 16 : index
            %get3A_215 = tpu.vector_load %arg12[%get3A_213, %get3A_214] {strides = array<i32>} : memref<128x128xf32, #tpu.memory_space<vmem>>, vector<1x16xf32>,
            %get3A_216 = vector.shape_cast %get3A_215 : vector<1x16xf32> to vector<16xf32>
            %add3A_217 = arith.addf %get3A_212, %get3A_216 : vector<16xf32>
            %swap3A_218 = arith.index_cast %sub3A_195 : i32 to index
            %swap3A_219 = arith.constant 16 : index
            %swap3A_220 = tpu.vector_load %arg7[%swap3A_218, %swap3A_219] {strides = array<i32>} : memref<200x128xf32, #tpu.memory_space<vmem>>, vector<1x16xf32>,
            %swap3A_221 = vector.shape_cast %swap3A_220 : vector<1x16xf32> to vector<16xf32>
            %swap3A_222 = vector.shape_cast %add3A_217 : vector<16xf32> to vector<1x16xf32>
            tpu.vector_store %arg7[%swap3A_218, %swap3A_219], %swap3A_222 {strides = array<i32>} : memref<200x128xf32, #tpu.memory_space<vmem>>, vector<1x16xf32>,
            %get3A_223 = arith.index_cast %sub3A_195 : i32 to index
            %get3A_224 = arith.constant 32 : index
            %get3A_225 = tpu.vector_load %arg7[%get3A_223, %get3A_224] {strides = array<i32>} : memref<200x128xf32, #tpu.memory_space<vmem>>, vector<1x16xf32>,
            %get3A_226 = vector.shape_cast %get3A_225 : vector<1x16xf32> to vector<16xf32>
            %get3A_227 = arith.index_cast %while3A_187 : i32 to index
            %get3A_228 = arith.constant 32 : index
            %get3A_229 = tpu.vector_load %arg12[%get3A_227, %get3A_228] {strides = array<i32>} : memref<128x128xf32, #tpu.memory_space<vmem>>, vector<1x16xf32>,
            %get3A_230 = vector.shape_cast %get3A_229 : vector<1x16xf32> to vector<16xf32>
            %add3A_231 = arith.addf %get3A_226, %get3A_230 : vector<16xf32>
            %swap3A_232 = arith.index_cast %sub3A_195 : i32 to index
            %swap3A_233 = arith.constant 32 : index
            %swap3A_234 = tpu.vector_load %arg7[%swap3A_232, %swap3A_233] {strides = array<i32>} : memref<200x128xf32, #tpu.memory_space<vmem>>, vector<1x16xf32>,
            %swap3A_235 = vector.shape_cast %swap3A_234 : vector<1x16xf32> to vector<16xf32>
            %swap3A_236 = vector.shape_cast %add3A_231 : vector<16xf32> to vector<1x16xf32>
            tpu.vector_store %arg7[%swap3A_232, %swap3A_233], %swap3A_236 {strides = array<i32>} : memref<200x128xf32, #tpu.memory_space<vmem>>, vector<1x16xf32>,
            %get3A_237 = arith.index_cast %sub3A_195 : i32 to index
            %get3A_238 = arith.constant 48 : index
            %get3A_239 = tpu.vector_load %arg7[%get3A_237, %get3A_238] {strides = array<i32>} : memref<200x128xf32, #tpu.memory_space<vmem>>, vector<1x16xf32>,
            %get3A_240 = vector.shape_cast %get3A_239 : vector<1x16xf32> to vector<16xf32>
            %get3A_241 = arith.index_cast %while3A_187 : i32 to index
            %get3A_242 = arith.constant 48 : index
            %get3A_243 = tpu.vector_load %arg12[%get3A_241, %get3A_242] {strides = array<i32>} : memref<128x128xf32, #tpu.memory_space<vmem>>, vector<1x16xf32>,
            %get3A_244 = vector.shape_cast %get3A_243 : vector<1x16xf32> to vector<16xf32>
            %add3A_245 = arith.addf %get3A_240, %get3A_244 : vector<16xf32>
            %swap3A_246 = arith.index_cast %sub3A_195 : i32 to index
            %swap3A_247 = arith.constant 48 : index
            %swap3A_248 = tpu.vector_load %arg7[%swap3A_246, %swap3A_247] {strides = array<i32>} : memref<200x128xf32, #tpu.memory_space<vmem>>, vector<1x16xf32>,
            %swap3A_249 = vector.shape_cast %swap3A_248 : vector<1x16xf32> to vector<16xf32>
            %swap3A_250 = vector.shape_cast %add3A_245 : vector<16xf32> to vector<1x16xf32>
            tpu.vector_store %arg7[%swap3A_246, %swap3A_247], %swap3A_250 {strides = array<i32>} : memref<200x128xf32, #tpu.memory_space<vmem>>, vector<1x16xf32>,
            %get3A_251 = arith.index_cast %sub3A_195 : i32 to index
            %get3A_252 = arith.constant 64 : index
            %get3A_253 = tpu.vector_load %arg7[%get3A_251, %get3A_252] {strides = array<i32>} : memref<200x128xf32, #tpu.memory_space<vmem>>, vector<1x16xf32>,
            %get3A_254 = vector.shape_cast %get3A_253 : vector<1x16xf32> to vector<16xf32>
            %get3A_255 = arith.index_cast %while3A_187 : i32 to index
            %get3A_256 = arith.constant 64 : index
            %get3A_257 = tpu.vector_load %arg12[%get3A_255, %get3A_256] {strides = array<i32>} : memref<128x128xf32, #tpu.memory_space<vmem>>, vector<1x16xf32>,
            %get3A_258 = vector.shape_cast %get3A_257 : vector<1x16xf32> to vector<16xf32>
            %add3A_259 = arith.addf %get3A_254, %get3A_258 : vector<16xf32>
            %swap3A_260 = arith.index_cast %sub3A_195 : i32 to index
            %swap3A_261 = arith.constant 64 : index
            %swap3A_262 = tpu.vector_load %arg7[%swap3A_260, %swap3A_261] {strides = array<i32>} : memref<200x128xf32, #tpu.memory_space<vmem>>, vector<1x16xf32>,
            %swap3A_263 = vector.shape_cast %swap3A_262 : vector<1x16xf32> to vector<16xf32>
            %swap3A_264 = vector.shape_cast %add3A_259 : vector<16xf32> to vector<1x16xf32>
            tpu.vector_store %arg7[%swap3A_260, %swap3A_261], %swap3A_264 {strides = array<i32>} : memref<200x128xf32, #tpu.memory_space<vmem>>, vector<1x16xf32>,
            %get3A_265 = arith.index_cast %sub3A_195 : i32 to index
            %get3A_266 = arith.constant 80 : index
            %get3A_267 = tpu.vector_load %arg7[%get3A_265, %get3A_266] {strides = array<i32>} : memref<200x128xf32, #tpu.memory_space<vmem>>, vector<1x16xf32>,
            %get3A_268 = vector.shape_cast %get3A_267 : vector<1x16xf32> to vector<16xf32>
            %get3A_269 = arith.index_cast %while3A_187 : i32 to index
            %get3A_270 = arith.constant 80 : index
            %get3A_271 = tpu.vector_load %arg12[%get3A_269, %get3A_270] {strides = array<i32>} : memref<128x128xf32, #tpu.memory_space<vmem>>, vector<1x16xf32>,
            %get3A_272 = vector.shape_cast %get3A_271 : vector<1x16xf32> to vector<16xf32>
            %add3A_273 = arith.addf %get3A_268, %get3A_272 : vector<16xf32>
            %swap3A_274 = arith.index_cast %sub3A_195 : i32 to index
            %swap3A_275 = arith.constant 80 : index
            %swap3A_276 = tpu.vector_load %arg7[%swap3A_274, %swap3A_275] {strides = array<i32>} : memref<200x128xf32, #tpu.memory_space<vmem>>, vector<1x16xf32>,
            %swap3A_277 = vector.shape_cast %swap3A_276 : vector<1x16xf32> to vector<16xf32>
            %swap3A_278 = vector.shape_cast %add3A_273 : vector<16xf32> to vector<1x16xf32>
            tpu.vector_store %arg7[%swap3A_274, %swap3A_275], %swap3A_278 {strides = array<i32>} : memref<200x128xf32, #tpu.memory_space<vmem>>, vector<1x16xf32>,
            %get3A_279 = arith.index_cast %sub3A_195 : i32 to index
            %get3A_280 = arith.constant 96 : index
            %get3A_281 = tpu.vector_load %arg7[%get3A_279, %get3A_280] {strides = array<i32>} : memref<200x128xf32, #tpu.memory_space<vmem>>, vector<1x16xf32>,
            %get3A_282 = vector.shape_cast %get3A_281 : vector<1x16xf32> to vector<16xf32>
            %get3A_283 = arith.index_cast %while3A_187 : i32 to index
            %get3A_284 = arith.constant 96 : index
            %get3A_285 = tpu.vector_load %arg12[%get3A_283, %get3A_284] {strides = array<i32>} : memref<128x128xf32, #tpu.memory_space<vmem>>, vector<1x16xf32>,
            %get3A_286 = vector.shape_cast %get3A_285 : vector<1x16xf32> to vector<16xf32>
            %add3A_287 = arith.addf %get3A_282, %get3A_286 : vector<16xf32>
            %swap3A_288 = arith.index_cast %sub3A_195 : i32 to index
            %swap3A_289 = arith.constant 96 : index
            %swap3A_290 = tpu.vector_load %arg7[%swap3A_288, %swap3A_289] {strides = array<i32>} : memref<200x128xf32, #tpu.memory_space<vmem>>, vector<1x16xf32>,
            %swap3A_291 = vector.shape_cast %swap3A_290 : vector<1x16xf32> to vector<16xf32>
            %swap3A_292 = vector.shape_cast %add3A_287 : vector<16xf32> to vector<1x16xf32>
            tpu.vector_store %arg7[%swap3A_288, %swap3A_289], %swap3A_292 {strides = array<i32>} : memref<200x128xf32, #tpu.memory_space<vmem>>, vector<1x16xf32>,
            %get3A_293 = arith.index_cast %sub3A_195 : i32 to index
            %get3A_294 = arith.constant 112 : index
            %get3A_295 = tpu.vector_load %arg7[%get3A_293, %get3A_294] {strides = array<i32>} : memref<200x128xf32, #tpu.memory_space<vmem>>, vector<1x16xf32>,
            %get3A_296 = vector.shape_cast %get3A_295 : vector<1x16xf32> to vector<16xf32>
            %get3A_297 = arith.index_cast %while3A_187 : i32 to index
            %get3A_298 = arith.constant 112 : index
            %get3A_299 = tpu.vector_load %arg12[%get3A_297, %get3A_298] {strides = array<i32>} : memref<128x128xf32, #tpu.memory_space<vmem>>, vector<1x16xf32>,
            %get3A_300 = vector.shape_cast %get3A_299 : vector<1x16xf32> to vector<16xf32>
            %add3A_301 = arith.addf %get3A_296, %get3A_300 : vector<16xf32>
            %swap3A_302 = arith.index_cast %sub3A_195 : i32 to index
            %swap3A_303 = arith.constant 112 : index
            %swap3A_304 = tpu.vector_load %arg7[%swap3A_302, %swap3A_303] {strides = array<i32>} : memref<200x128xf32, #tpu.memory_space<vmem>>, vector<1x16xf32>,
            %swap3A_305 = vector.shape_cast %swap3A_304 : vector<1x16xf32> to vector<16xf32>
            %swap3A_306 = vector.shape_cast %add3A_301 : vector<16xf32> to vector<1x16xf32>
            tpu.vector_store %arg7[%swap3A_302, %swap3A_303], %swap3A_306 {strides = array<i32>} : memref<200x128xf32, #tpu.memory_space<vmem>>, vector<1x16xf32>,
            %while3A_307 = arith.constant 0 : i32
            scf.yield %while3A_307 : i32
          }
        } else {
        }
        %while3A_158 = arith.constant 0 : i32
        scf.yield %while3A_158 : i32
      }
      %multiple_of3A = tpu.assume_multiple %add3A_35, 8 : i32
      "tpu.region"() ({
        %run_scoped3A = tpu.sem_alloc : memref<!tpu.dma_semaphore, #tpu.memory_space<semaphore_mem>>
        %dma_start3A = arith.constant 0 : i32
        %dma_start3A_123 = tpu.memref_slice %arg6[%multiple_of3A, %dma_start3A] : memref<160000x128xf32, #tpu.memory_space<hbm>> -> memref<200x128xf32, #tpu.memory_space<hbm>>
        %dma_start3A_124 = arith.constant 0 : i32
        %dma_start3A_125 = tpu.memref_slice %arg6[%multiple_of3A, %dma_start3A_124] : memref<160000x128xf32, #tpu.memory_space<hbm>> -> memref<200x128xf32, #tpu.memory_space<hbm>>
        tpu.enqueue_dma source(%arg7 : memref<200x128xf32, #tpu.memory_space<vmem>>) target(%dma_start3A_125 : memref<200x128xf32, #tpu.memory_space<hbm>>) target_semaphore(%run_scoped3A : memref<!tpu.dma_semaphore, #tpu.memory_space<semaphore_mem>>)
        %dma_wait3A = arith.constant 0 : i32
        %dma_wait3A_126 = tpu.memref_slice %arg6[%multiple_of3A, %dma_wait3A] : memref<160000x128xf32, #tpu.memory_space<hbm>> -> memref<200x128xf32, #tpu.memory_space<hbm>>
        %dma_wait3A_127 = arith.constant 0 : i32
        %dma_wait3A_128 = tpu.memref_slice %arg6[%multiple_of3A, %dma_wait3A_127] : memref<160000x128xf32, #tpu.memory_space<hbm>> -> memref<200x128xf32, #tpu.memory_space<hbm>>
        tpu.wait_dma2 semaphore(%run_scoped3A : memref<!tpu.dma_semaphore, #tpu.memory_space<semaphore_mem>>) src(%arg7 : memref<200x128xf32, #tpu.memory_space<vmem>>) dst(%dma_wait3A_128 : memref<200x128xf32, #tpu.memory_space<hbm>>)
        tpu.yield
      }) : () -> ()
      %scan3A_122 = arith.constant 0 : i32
      scf.yield %scan3A_122 : i32
    }
    %scan3A_14 = arith.constant 25 : i32
    return
  }
}

</mosaic_0001>

<sc_bundles>
// kernel: wrapper.3.cloned.1.call-start
scs
__scs_entry_jumppad:
0x0: {  	(pc) =	sbr.rel $0x88, $3  }
0x1: {  	(tag) =	ssettag $0x0;
	lr =	simm.s32 $0x1  }
0x2: {  	[smem:$0x3F9D] =	sst lr;
	_ =	strace $0xD0000000  }
0x3: {  	_ = 	snop  }
0x4: {  	_ = 	snop  }
0x5: {  	_ = 	snop  }
0x6: {  	_ = 	snop  }
0x7: {  	_ = 	snop  }
__scs_overlays_trampoline_lowered:
0x8: {  	[smem:$0x3FAC] =	sst s0  }
0x9: {  	[smem:$0x3FAD] =	sst s1  }
0xa: {  	[smem:$0x3FAE] =	sst s2  }
0xb: {  	[smem:$0x3FAF] =	sst s3  }
0xc: {  	[smem:$0x3FB0] =	sst s4  }
0xd: {  	[smem:$0x3FB1] =	sst s5  }
0xe: {  	[smem:$0x3FB2] =	sst s6  }
0xf: {  	[smem:$0x3FB3] =	sst s7  }
0x10: {  	[smem:$0x3FB4] =	sst s8  }
0x11: {  	[smem:$0x3FB5] =	sst s9;
	s0 =	simm.s32 @!p0 $0x0  }
0x12: {  	s1 =	sld [smem:$0x3F9B];
	s0 =	simm.s32 @p0 $0x1  }
0x13: {  	[smem:$0x3FB6] =	sst s0;
	s0 =	simm.s32 @!p1 $0x0  }
0x14: {  	s2 =	sld [smem:$0x3F9A];
	s0 =	simm.s32 @p1 $0x1  }
0x15: {  	[smem:$0x3FB7] =	sst s0;
	s0 =	simm.s32 @!p2 $0x0  }
0x16: {  	s3 =	sld [smem:$0x3FDB];
	s0 =	simm.s32 @p2 $0x1  }
0x17: {  	s4 =	simm.s32 $0x1BF5;
	[smem:$0x3FB9] =	sst s0  }
0x18: {  	s0 =	sld [smem:$0x3F9C];
	_ =	swait.ge [sflag:s4], $0x0  }
0x19: {  	s7 =	sld [smem:$0x3F9D]  }
0x1a: {  	s8 =	sadd.s32 $0xFFFFE003, lr  }
0x1b: {  	s9 =	sadd.s32 $0xFFFFFEF7, lr;
	s5 =	simm.s32 $0xFFFFFFFF;
	p2 =	slt.u32 s8, $0xFFFFF086  }
0x1c: {  	p1 =	slt.u32 s9, $0xF7A;
	s5 =	simm.s32 @!p2 $0x0  }
0x1d: {  	s5 =	simm.s32 @p1 $0x1;
	p0 =	seq.s32 s7, s2  }
0x1e: {  	s7 =	smul.u32 @!p0 $0xF7A, s2;
	p2 =	seq.s32 @!p0 s5, $0x0  }
0x1f: {  	s9 =	smul.u32 $0xF7A, s1;
	s8 =	simm.s32 @!p0 $0x1BF5;
	p2 =	por !p2, p0  }
0x20: {  	[sflag:s8] =	ssyncset.s32 @!p0 $0xFFFFF086;
	s6 =	sadd.s32 @!p0 s3, s7;
	s7 =	simm.s32 @!p0 $0x108  }
0x21: {  	s3 =	sadd.s32 s3, s9;
	s6 =	sadd.s32 @!p0 $0x88, s6;
	s7 =	simm.s32 @p2 $0x1082  }
0x22: {  	[simem:s7], [sflag:s8] =	dma.local @!p0 [hbm:s6], $0xF7A  }
0x23: {  	s9 =	sor.u32 $0xD0000000, s2;
	s6 =	simm.s32 $0x108;
	_ =	swait.ge @!p0 [sflag:s8], $0x0  }
0x24: {  	s3 =	sadd.s32 $0x88, s3;
	s6 =	simm.s32 @!p1 $0x1082;
	[sflag:s4] =	ssyncset.s32 $0xFFFFF086  }
0x25: {  	[simem:s6], [sflag:s4] =	dma.local [hbm:s3], $0xF7A  }
0x26: {  	[smem:$0x3F9D] =	sst s1;
	(tag) =	ssettag s2;
	_ =	strace s9  }
0x27: {  	s1 =	sld [smem:$0x3FAD]  }
0x28: {  	s2 =	sld [smem:$0x3FAE]  }
0x29: {  	s4 =	sld [smem:$0x3FB0]  }
0x2a: {  	p0 =	seq.s32 s5, $0x0;
	s5 =	sld [smem:$0x3FB1]  }
0x2b: {  	s6 =	sld [smem:$0x3FB2]  }
0x2c: {  	s7 =	sld [smem:$0x3FB3]  }
0x2d: {  	s3 =	simm.s32 $0x108;
	s8 =	sld [smem:$0x3FB4]  }
0x2e: {  	s3 =	simm.s32 @!p0 $0x1082;
	s9 =	sld [smem:$0x3FB5]  }
0x2f: {  	lr =	sadd.s32 s0, s3;
	s0 =	sld [smem:$0x3FAC]  }
0x30: {  	s3 =	sld [smem:$0x3FAF]  }
0x31: {  	[smem:$0x3FB8] =	sst s10  }
0x32: {  	s10 =	sld [smem:$0x3FB6];
	_ =	sdelay $0x3  }
0x33: {  	p0 =	seq.s32 s10, $0x1;
	s10 =	sld [smem:$0x3FB8];
	_ =	sdelay $0x3  }
0x34: {  	[smem:$0x3FB8] =	sst s10  }
0x35: {  	s10 =	sld [smem:$0x3FB7];
	_ =	sdelay $0x3  }
0x36: {  	p1 =	seq.s32 s10, $0x1;
	s10 =	sld [smem:$0x3FB8];
	_ =	sdelay $0x3  }
0x37: {  	[smem:$0x3FB8] =	sst s10  }
0x38: {  	s10 =	sld [smem:$0x3FB9]  }
0x39: {  	_ = 	snop;
	(pc) =	sbr.ind lr, $3  }
0x3a: {  	_ = 	snop  }
0x3b: {  	_ = 	snop  }
0x3c: {  	p2 =	seq.s32 s10, $0x1;
	s10 =	sld [smem:$0x3FB8]  }
0x3d: {  	_ =	shalt  }
0x3e: {  	_ =	shalt  }
0x3f: {  	_ =	shalt  }
0x40: {  	_ =	shalt  }
0x41: {  	_ =	shalt  }
0x42: {  	_ =	shalt  }
0x43: {  	_ =	shalt  }
0x44: {  	_ =	shalt  }
0x45: {  	_ =	shalt  }
0x46: {  	_ =	shalt  }
0x47: {  	_ =	shalt  }
0x48: {  	_ =	shalt  }
0x49: {  	_ =	shalt  }
0x4a: {  	_ =	shalt  }
0x4b: {  	_ =	shalt  }
0x4c: {  	_ =	shalt  }
0x4d: {  	_ =	shalt  }
0x4e: {  	_ =	shalt  }
0x4f: {  	_ =	shalt  }
0x50: {  	_ =	shalt  }
0x51: {  	_ =	shalt  }
0x52: {  	_ =	shalt  }
0x53: {  	_ =	shalt  }
0x54: {  	_ =	shalt  }
0x55: {  	_ =	shalt  }
0x56: {  	_ =	shalt  }
0x57: {  	_ =	shalt  }
0x58: {  	_ =	shalt  }
0x59: {  	_ =	shalt  }
0x5a: {  	_ =	shalt  }
0x5b: {  	_ =	shalt  }
0x5c: {  	_ =	shalt  }
0x5d: {  	_ =	shalt  }
0x5e: {  	_ =	shalt  }
0x5f: {  	_ =	shalt  }
0x60: {  	_ =	shalt  }
0x61: {  	_ =	shalt  }
0x62: {  	_ =	shalt  }
0x63: {  	_ =	shalt  }
0x64: {  	_ =	shalt  }
0x65: {  	_ =	shalt  }
0x66: {  	_ =	shalt  }
0x67: {  	_ =	shalt  }
0x68: {  	_ =	shalt  }
0x69: {  	_ =	shalt  }
0x6a: {  	_ =	shalt  }
0x6b: {  	_ =	shalt  }
0x6c: {  	_ =	shalt  }
0x6d: {  	_ =	shalt  }
0x6e: {  	_ =	shalt  }
0x6f: {  	_ =	shalt  }
0x70: {  	_ =	shalt  }
0x71: {  	_ =	shalt  }
0x72: {  	_ =	shalt  }
0x73: {  	_ =	shalt  }
0x74: {  	_ =	shalt  }
0x75: {  	_ =	shalt  }
0x76: {  	_ =	shalt  }
0x77: {  	_ =	shalt  }
0x78: {  	_ =	shalt  }
0x79: {  	_ =	shalt  }
0x7a: {  	_ =	shalt  }
0x7b: {  	_ =	shalt  }
0x7c: {  	_ =	shalt  }
0x7d: {  	_ =	shalt  }
0x7e: {  	_ =	shalt  }
0x7f: {  	_ =	shalt  }
0x80: {  	_ =	shalt  }
0x81: {  	_ =	shalt  }
0x82: {  	_ =	shalt  }
0x83: {  	_ =	shalt  }
0x84: {  	_ =	shalt  }
0x85: {  	_ =	shalt  }
0x86: {  	_ =	shalt  }
0x87: {  	_ =	shalt  }
.Lfunc_end0:
.L_simem_size_0:
called_computation_lowered:
.L_overlay_start_0:
0x88: {  	s2 =	sld [smem:$0x3FD9]  }
0x89: {  	s3 =	sld [smem:$0x3FFE];
	_ =	sdelay $0x1  }
0x8a: {  	s1 =	srdreg.scid  }
0x8b: {  	s0 =	sand.u32 $0x1, s1  }
0x8c: {  	s17 =	sshll.u32 s0, $0xA;
	s2 =	sadd.s32 s3, s2  }
0x8d: {  	s2 =	sadd.s32 s2, s17  }
0x8e: {  	[smem:$0x3FC4] =	sst s2  }
0x8f: {  	_ = 	snop  }
0x90: {  	s2 =	sld [smem:$0x3FC9]  }
0x91: {  	s18 =	sld [smem:$0x3FC8]  }
0x92: {  	s4 =	sld [smem:$0x3FD0];
	(tm) =	ssettm $0x1  }
0x93: {  	s5 =	sld [smem:$0x3FFB];
	_ =	sdelay $0x3  }
0x94: {  	_ =	strace s5  }
0x95: {  	s5 =	sld [smem:$0x3FFC];
	_ =	sdelay $0x3  }
0x96: {  	_ =	strace s5  }
0x97: {  	s5 =	sld [smem:$0x3FFD];
	_ =	sdelay $0x3  }
0x98: {  	_ =	strace s5  }
0x99: {  	_ =	strace $0x8FFFFFFF  }
0x9a: {  	s19 =	sld [smem:$0x3FDB];
	_ =	sdelay $0x1  }
0x9b: {  	s6 =	simm.s32 $_scs_section_size  }
0x9c: {  	s7 =	simm.s32 $_size__tile_overlayer_lowered;
	s8 =	simm.s32 $_tile_overlayer_lowered  }
0x9d: {  	s22 =	simm.s32 $0x1BFF;
	s21 =	sshll.u32 s8, $0x1;
	s5 =	sadd.s32 s6, s19  }
0x9e: {  	s9 =	simm.s32 $0x0;
	s20 =	sshll.u32 s7, $0x1;
	s7 =	sadd.s32 s21, s5  }
0x9f: {  	[timem:s9], [sflag:s22] =	dma.local [hbm:s7], s20  }
0xa0: {  	_ =	swait.ge [sflag:s22], s20  }
0xa1: {  	s6 =	ssub.s32 $0x0, s20;
	[sflag:s22] =	ssyncset.done $0x0  }
0xa2: {  	[sflag:s22] =	ssyncadd.s32 s6;
	_ =	sdelay $0x1  }
0xa3: {  	s23 =	simm.s32 $0x1B8B  }
0xa4: {  	_ =	swait.ge [sflag:s23], $0x1  }
0xa5: {  	[sflag:s23] =	ssyncset.done $0x0  }
0xa6: {  	s25 =	simm.s32 $0x1B8E;
	s24 =	sld [smem:$0x3FFE];
	[sflag:s23] =	ssyncadd.s32 $0xFFFFFFFF  }
0xa7: {  	s26 =	simm.s32 $execute0_lowered;
	[smem:$0x3FD2] =	sst s25  }
0xa8: {  	s7 =	sshll.u32 s26, $0x1;
	_ =	strace $0x80000046;
	[dreg:$0x1] =	wrdreg $0xFFFFFFFF  }
0xa9: {  	s28 =	simm.s32 $_size_execute0_lowered;
	s5 =	sadd.s32 s5, s7;
	[dreg:$0x0] =	wrdreg $0x0  }
0xaa: {  	s7 =	sshll.u32 s28, $0x1;
	[dreg:$0x2] =	wrdreg s5  }
0xab: {  	[dreg:$0x3] =	wrdreg s7  }
0xac: {  	[dreg:$0x4] =	wrdreg $0xC0  }
0xad: {  	_ =	task [dreg:s9], $0x5FFFF  }
0xae: {  	[dreg:$0x1] =	wrdreg $0xFFFFFFFF  }
0xaf: {  	[dreg:$0x0] =	wrdreg $0x60  }
0xb0: {  	[dreg:$0x2] =	wrdreg s2  }
0xb1: {  	[dreg:$0x3] =	wrdreg s18  }
0xb2: {  	[dreg:$0x4] =	wrdreg s24  }
0xb3: {  	[dreg:$0x5] =	wrdreg s4  }
0xb4: {  	[dreg:$0x6] =	wrdreg $0x64000  }
0xb5: {  	[dreg:$0x7] =	wrdreg $0x9  }
0xb6: {  	_ =	task.clear_ibuf [dreg:s9], $0x8FFFF;
	_ =	strace $0x90000046  }
0xb7: {  	s29 =	simm.s32 $0x9;
	_ =	strace $0x80000048  }
0xb8: {  	_ =	swait.ge [sflag:s29], $0x1  }
0xb9: {  	[sflag:s29] =	ssyncadd.s32 $0xFFFFFFFF  }
0xba: {  	_ =	strace $0x90000048  }
0xbb: {  	_ =	sfence  }
0xbc: {  	s30 =	sld [smem:$0x0];
	_ =	sdelay $0x2  }
0xbd: {  	s31 =	sshll.u32 s1, $0xD;
	s1 =	sshrl.u32 s1, $0x2  }
0xbe: {  	s3 =	sand.u32 $0x4000, s31;
	s1 =	sadd.s32 s1, s30  }
0xbf: {  	s0 =	sor.u32 s3, s0;
	s1 =	sshll.u32 s1, $0x11  }
0xc0: {  	s0 =	sor.u32 s1, s0  }
0xc1: {  	s0 =	sadd.s32 $0x8F2B, s0  }
0xc2: {  	[sflag:s0] =	ssyncadd.remote.s32 $0x1  }
0xc3: {  	_ =	sfence.sel $0xFFFF  }
0xc4: {  	[dreg:$0x0] =	wrdreg $0xFFFFFFFF;
	(pc) =	sbr.abs _section_cstart, $3  }
0xc5: {  	[dreg:$0x1] =	wrdreg $0xFFFFFFFF  }
0xc6: {  	_ =	task.clear_ibuf [dreg:s9], $0x2FFFF;
	_ =	strace $0x9FFFFFFF  }
0xc7: {  	(tm) =	ssettm $0x7FFFFFFF  }
tec
execute0_lowered:
.L_overlay_start_1:
0x0: {  	(tag) =	ssettag $0x1  }
0x1: {  	s1 =	rddreg [dreg:$0x0]  }
0x2: {  	s2 =	rddreg [dreg:$0x1]  }
0x3: {  	s0 =	rddreg [dreg:$0x2]  }
0x4: {  	s3 =	rddreg [dreg:$0x3]  }
0x5: {  	s4 =	rddreg [dreg:$0x4]  }
0x6: {  	s6 =	simm.s32 $0x0;
	s5 =	srdreg.scid;
	s7 =	stileid.u32  }
0x7: {  	s15 =	simm.s32 $0x3;
	s16 =	simm.s32 $0x7000;
	s17 =	simm.s32 $0x1  }
0x8: {  	[smem:$0x7FF] =	sst s6;
	s5 =	sand.u32 $0x1, s5;
	s9 =	sshll.u32 s7, $0x1  }
0x9: {  	s7 =	sadd.s32 $0x271E00, s0;
	s0 =	sadd.s32 $0x600, s0;
	s30 =	sadd.s32 $0x4000, s4  }
.Ltmp0:
0xa: {  	s31 =	sadd.s32 $0x8000, s4;
	s8 =	ssub.s32 $0x2, s5;
	(pc) =	sbr.rel .LBB2_1-.Ltmp0, $4  }
0xb: {  	_ =	strace $0x80000047;
	[dreg:$0x6] =	wrdreg s0;
	s10 =	sshrl.u32 s8, $0x1  }
0xc: {  	s5 =	sor.u32 s5, s9;
	[dreg:$0x7] =	wrdreg s30;
	s29 =	ssub.s32 s8, s10  }
0xd: {  	[dreg:$0x8] =	wrdreg s31;
	s9 =	smul.u32 $0x19, s5;
	s0 =	smax.u32 s29, $0x1  }
0xe: {  	v0 =	vimm.f32 $0.0e+00;
	s18 =	simm.s32 $0x0;
	s12 =	smul.u32 $0x1388, s5;
	[dreg:$0x9] =	wrdreg s0  }
.LBB2_16:
0xf: {  	s18 =	sadd.s32 $0x1, s18;
	s0 =	rddreg [dreg:$0x9]  }
0x10: {  	p0 =	sne.s32 s18, s0  }
.Ltmp1:
0x11: {  	_ = 	snop;
	(pc) =	sbr.rel @!p0 .LBB2_17-.Ltmp1, $1  }
0x12: {  	_ =	sdelay $0x3  }
.LBB2_1:
0x13: {  	s0 =	rddreg [dreg:$0x6];
	s5 =	simm.s32 $0x10100  }
0x14: {  	[tilespmem:s5], [sflag:$0x3] =	stream.linear.gather [hbm4b:s0+s6], $0x3280, $0x38;
	[tilespmem:$0x13380] =	vst v63  }
0x15: {  	_ =	swait.ge [sflag:s15], $0x3280  }
0x16: {  	[sflag:s15] =	ssyncset.done $0x0  }
0x17: {  	s0 =	simm.s32 $0x0;
	s5 =	simm.s32 $0x200;
	[sflag:s15] =	ssyncadd.s32 $0xFFFFCD80  }
.LBB2_2:
0x18: {  	p0 =	sne.s32 s5, $0xFE00;
	[tilespmem:s0+$0x7070] =	vst v0  }
0x19: {  	[tilespmem:s0+$0x7000] =	vst v0  }
0x1a: {  	[tilespmem:s0+$0x7010] =	vst v0  }
.Ltmp2:
0x1b: {  	[tilespmem:s0+$0x7020] =	vst v0;
	(pc) =	sbr.rel @p0 .LBB2_2-.Ltmp2, $4  }
0x1c: {  	[tilespmem:s0+$0x7030] =	vst v0  }
0x1d: {  	[tilespmem:s0+$0x7040] =	vst v0  }
0x1e: {  	[tilespmem:s0+$0x7050] =	vst v0  }
0x1f: {  	[tilespmem:s0+$0x7060] =	vst v0;
	s0 =	sshra.s32 s5, $0x2;
	s5 =	sadd.s32 $0x200, s5  }
0x20: {  	[tilespmem:s0+$0x7070] =	vst v0  }
0x21: {  	[tilespmem:s0+$0x7000] =	vst v0  }
0x22: {  	[tilespmem:s0+$0x7010] =	vst v0  }
0x23: {  	[tilespmem:s0+$0x7020] =	vst v0  }
0x24: {  	[tilespmem:s0+$0x7030] =	vst v0  }
0x25: {  	[tilespmem:s0+$0x7040] =	vst v0  }
0x26: {  	[tilespmem:s0+$0x7050] =	vst v0  }
0x27: {  	[tilespmem:s0+$0x7060] =	vst v0  }
0x28: {  	[spmem:s4] =	stream.linear.scatter [tilespmem:s16], [sflag:$0x3], $0x4000, $0x38;
	[tilespmem:$0x13380] =	vst v63  }
0x29: {  	_ =	swait.ge [sflag:s15], $0x4000  }
0x2a: {  	[sflag:s15] =	ssyncset.done $0x0  }
0x2b: {  	s30 =	rddreg [dreg:$0x7];
	[sflag:s15] =	ssyncadd.s32 $0xFFFFC000  }
0x2c: {  	[spmem:s30] =	stream.linear.scatter [tilespmem:s16], [sflag:$0x3], $0x4000, $0x38;
	[tilespmem:$0x13380] =	vst v63  }
0x2d: {  	_ =	swait.ge [sflag:s15], $0x4000  }
0x2e: {  	[sflag:s15] =	ssyncset.done $0x0  }
.Ltmp3:
0x2f: {  	s31 =	rddreg [dreg:$0x8];
	[sflag:s15] =	ssyncadd.s32 $0xFFFFC000;
	(pc) =	sbr.rel .LBB2_4-.Ltmp3, $4  }
0x30: {  	[spmem:s31] =	stream.linear.scatter [tilespmem:s16], [sflag:$0x3], $0x4000, $0x38;
	[tilespmem:$0x13380] =	vst v63  }
0x31: {  	_ =	swait.ge [sflag:s15], $0x4000  }
0x32: {  	[sflag:s15] =	ssyncset.done $0x0  }
0x33: {  	s19 =	simm.s32 $0x0;
	[sflag:s15] =	ssyncadd.s32 $0xFFFFC000  }
.LBB2_15:
0x34: {  	s19 =	sadd.s32 $0x1, s19  }
0x35: {  	s0 =	sshll.u32 s24, $0x4;
	p0 =	sne.s32 s19, $0x19  }
.Ltmp4:
0x36: {  	s0 =	sadd.s32 s3, s0;
	(pc) =	sbr.rel @!p0 .LBB2_16-.Ltmp4, $4  }
0x37: {  	[hbm4b:s0+s6] =	stream.linear.scatter [tilespmem:s6], [sflag:$0x3], $0x6400, $0x38;
	[tilespmem:$0x13380] =	vst v63  }
0x38: {  	_ =	swait.ge [sflag:s15], $0x6400  }
0x39: {  	[sflag:s15] =	ssyncset.done $0x0  }
0x3a: {  	[sflag:s15] =	ssyncadd.s32 $0xFFFF9C00  }
.LBB2_4:
0x3b: {  	s0 =	sadd.s32 s9, s19  }
0x3c: {  	s0 =	sshll.u32 s0, $0x4  }
0x3d: {  	s0 =	sand.u32 $0x3FFFFFF0, s0  }
0x3e: {  	v1 =	vld [tilespmem:s0+$0x10100];
	_ =	sdelay $0x4  }
0x3f: {  	(v2sf) =	vpush v1, $0x0;
	_ =	sdelay $0x1  }
0x40: {  	v1 =	vld [tilespmem:s0+$0x10110];
	_ =	sdelay $0x4  }
0x41: {  	(v2sf) =	vpush v1, $0x0;
	_ =	sdelay $0x6  }
0x42: {  	[tilespmem:s6], [sflag:$0x3] =	stream.linear.gather [spmem:s4], $0x6400, $0x38;
	[tilespmem:$0x13380] =	vst v63  }
0x43: {  	s20 =	spop (v2sf)  }
0x44: {  	s23 =	sand.u32 $0x7F, s20  }
0x45: {  	s5 =	sshra.s32 s20, $0x1F;
	p0 =	slt.s32 s20, $0x1;
	p1 =	sne.s32 s23, $0x0  }
0x46: {  	s24 =	sshrl.u32 s5, $0x19;
	p0 =	por !p0, !p1  }
0x47: {  	s5 =	simm.s32 $0x1;
	s0 =	sadd.s32 s24, s20;
	p0 =	por !p0, !p0  }
0x48: {  	s0 =	sshra.s32 s0, $0x7;
	s5 =	simm.s32 @!p0 $0x0  }
0x49: {  	s5 =	ssub.s32 s0, s5  }
0x4a: {  	s21 =	spop (v2sf);
	s22 =	sshll.u32 s5, $0x7  }
0x4b: {  	s25 =	ssub.s32 s21, s22  }
0x4c: {  	s0 =	sadd.s32 $0x7F, s25  }
0x4d: {  	s8 =	sand.u32 $0x7F, s0  }
0x4e: {  	s10 =	sshra.s32 s0, $0x1F;
	p3 =	slt.s32 s0, $0x1;
	p4 =	sne.s32 s8, $0x0  }
0x4f: {  	s26 =	sshrl.u32 s10, $0x19;
	p0 =	por !p3, !p4  }
0x50: {  	s8 =	simm.s32 $0x1;
	s0 =	sadd.s32 s26, s0;
	p0 =	por !p0, !p0  }
0x51: {  	s0 =	sshra.s32 s0, $0x7;
	s8 =	simm.s32 @!p0 $0x0  }
0x52: {  	_ =	swait.ge [sflag:s15], $0x6400;
	s0 =	ssub.s32 s0, s8  }
0x53: {  	[sflag:s15] =	ssyncset.done $0x0;
	p0 =	slt.s32 s0, $0x1  }
0x54: {  	[sflag:s15] =	ssyncadd.s32 $0xFFFF9C00;
	s8 =	sshrl.u32 @!p0 s22, $0x3  }
0x55: {  	s10 =	simm.s32 @!p0 $0x0;
	s11 =	simm.s32 @!p0 $0xB000;
	s8 =	sadd.s32 @!p0 s2, s8  }
0x56: {  	[tilespmem:s11], [sflag:$0x3] =	stream.linear.gather @!p0 [hbm4b:s8+s10], $0x80, $0x38;
	[tilespmem:$0x13380] =	vst v63  }
0x57: {  	s8 =	simm.s32 @!p0 $0x3  }
0x58: {  	s5 =	sshll.u32 @!p0 s5, $0x8;
	_ =	swait.ge @!p0 [sflag:s8], $0x80  }
0x59: {  	s28 =	sadd.s32 $0x1, s0;
	s5 =	sand.u32 @!p0 $0x1FFFFF00, s5;
	[sflag:s8] =	ssyncset.done @!p0 $0x0  }
0x5a: {  	s13 =	simm.s32 @!p0 $0xB080;
	s5 =	sadd.s32 @!p0 s7, s5;
	[sflag:s8] =	ssyncadd.s32 @!p0 $0xFFFFFF80  }
0x5b: {  	[tilespmem:s13], [sflag:$0x3] =	stream.linear.gather @!p0 [hbm4b:s5+s10], $0x800, $0x38;
	[tilespmem:$0x13380] =	vst v63  }
0x5c: {  	s29 =	sand.u32 $0x1, s28;
	_ =	swait.ge @!p0 [sflag:s8], $0x800  }
0x5d: {  	p5 =	slt.s32 s0, $0x0;
	p6 =	seq.s32 s29, $0x1;
	[sflag:s8] =	ssyncset.done @!p0 $0x0  }
0x5e: {  	s5 =	simm.s32 @!p0 $0x80;
	[sflag:s8] =	ssyncadd.s32 @!p0 $0xFFFFF800;
	s8 =	simm.s32 @!p0 $0x7000  }
0x5f: {  	[tilespmem:s8], [sflag:$0x1] =	stream.indirect.gather @!p0 [hbm4b:s1+s5], $0x80, s11, s5, $0xb8;
	[tilespmem:$0x13380] =	vst v63  }
0x60: {  	s30 =	sshrl.u32 s28, $0x1F;
	p0 =	por !p5, !p6  }
0x61: {  	s5 =	sadd.s32 s30, s28;
	s8 =	simm.s32 $0x1;
	p0 =	por !p0, !p0  }
0x62: {  	s5 =	sshra.s32 s5, $0x1;
	s8 =	simm.s32 @!p0 $0x0  }
0x63: {  	s23 =	ssub.s32 s5, s8  }
0x64: {  	p0 =	slt.s32 s23, $0x1  }
.Ltmp5:
0x65: {  	_ = 	snop;
	(pc) =	sbr.rel @p0 .LBB2_15-.Ltmp5, $3  }
0x66: {  	_ = 	snop  }
0x67: {  	s31 =	smul.u32 $0xC8, s19;
	_ =	sdelay $0x1  }
0x68: {  	s24 =	sadd.s32 s12, s31  }
.Ltmp6:
0x69: {  	(pc) =	sbr.rel .LBB2_6-.Ltmp6, $3  }
0x6a: {  	_ =	sdelay $0x1  }
0x6b: {  	s25 =	sadd.s32 $0xFFFFFFFF, s0;
	s26 =	ssub.s32 s20, s22  }
0x6c: {  	s28 =	sadd.s32 $0xFFFFFFFE, s0;
	s30 =	simm.s32 $0x0;
	s29 =	sadd.s32 $0xFFFFFF80, s26  }
.LBB2_13:
0x6d: {  	[tilespmem:s11+$0x70] =	vst v1  }
.LBB2_14:
0x6e: {  	s30 =	sadd.s32 $0x1, s30  }
0x6f: {  	p0 =	sne.s32 s30, s23  }
.Ltmp7:
0x70: {  	_ = 	snop;
	(pc) =	sbr.rel @!p0 .LBB2_15-.Ltmp7, $2  }
0x71: {  	_ =	sdelay $0x2  }
0x72: {  	s26 =	sadd.s32 $0xFFFFFF00, s26;
	s29 =	sadd.s32 $0xFFFFFF00, s29  }
.LBB2_6:
0x73: {  	s5 =	sshll.u32 s30, $0x1;
	s0 =	sshll.u32 s30, $0x8  }
0x74: {  	_ =	swait.ge [sflag:s17], $0x4000;
	s0 =	sadd.s32 s22, s0;
	p0 =	sge.s32 s5, s25  }
0x75: {  	[sflag:s17] =	ssyncset.done $0x0;
	s31 =	sadd.s32 @!p0 $0x80, s0  }
0x76: {  	[sflag:s17] =	ssyncadd.s32 $0xFFFFC000;
	s8 =	sshrl.u32 @!p0 s31, $0x3  }
0x77: {  	s10 =	simm.s32 @!p0 $0x0;
	s11 =	simm.s32 @!p0 $0xF880;
	s8 =	sadd.s32 @!p0 s2, s8  }
0x78: {  	[tilespmem:s11], [sflag:$0x3] =	stream.linear.gather @!p0 [hbm4b:s8+s10], $0x80, $0x38;
	[tilespmem:$0x13380] =	vst v63  }
0x79: {  	s8 =	simm.s32 @!p0 $0x3  }
0x7a: {  	s13 =	sshll.u32 @!p0 s31, $0x1;
	_ =	swait.ge @!p0 [sflag:s8], $0x80  }
0x7b: {  	s13 =	sand.u32 @!p0 $0x1FFFFF00, s13;
	[sflag:s8] =	ssyncset.done @!p0 $0x0  }
0x7c: {  	s14 =	simm.s32 @!p0 $0xF900;
	s13 =	sadd.s32 @!p0 s7, s13;
	[sflag:s8] =	ssyncadd.s32 @!p0 $0xFFFFFF80  }
0x7d: {  	[tilespmem:s14], [sflag:$0x3] =	stream.linear.gather @!p0 [hbm4b:s13+s10], $0x800, $0x38;
	[tilespmem:$0x13380] =	vst v63  }
0x7e: {  	_ =	swait.ge @!p0 [sflag:s8], $0x800  }
0x7f: {  	[sflag:s8] =	ssyncset.done @!p0 $0x0  }
0x80: {  	s10 =	simm.s32 @!p0 $0xB880;
	[sflag:s8] =	ssyncadd.s32 @!p0 $0xFFFFF800;
	s8 =	simm.s32 @!p0 $0x80  }
0x81: {  	[tilespmem:s10], [sflag:$0x2] =	stream.indirect.gather @!p0 [hbm4b:s1+s8], $0x80, s11, s8, $0xb8;
	[tilespmem:$0x13380] =	vst v63  }
0x82: {  	s14 =	ssub.s32 s21, s0;
	s11 =	ssub.s32 s20, s0  }
0x83: {  	p2 =	slt.s32 s14, $0x80;
	p1 =	sgt.s32 s11, $0x0  }
0x84: {  	s14 =	simm.s32 @!p2 $0x80;
	s11 =	simm.s32 @!p1 $0x0  }
0x85: {  	p1 =	sge.s32 s11, s14  }
.Ltmp8:
0x86: {  	_ = 	snop;
	(pc) =	sbr.rel @p1 .LBB2_10-.Ltmp8, $1  }
0x87: {  	_ =	sdelay $0x3  }
0x88: {  	p1 =	sgt.s32 s26, $0x0;
	s10 =	smov.u32 s26  }
0x89: {  	s10 =	simm.s32 @!p1 $0x0  }
0x8a: {  	s8 =	sshll.u32 s10, $0x6  }
0x8b: {  	s8 =	sshra.s32 s8, $0x2  }
0x8c: {  	s8 =	sadd.s32 $0xB080, s8  }
0x8d: {  	v1 =	vld [tilespmem:s8+$0x0];
	_ =	sdelay $0x4  }
0x8e: {  	(v2sf) =	vpush v1, $0x0;
	_ =	sdelay $0xe  }
0x8f: {  	s10 =	sshll.u32 s10, $0x9;
	s13 =	spop (v2sf)  }
0x90: {  	s10 =	sshra.s32 s10, $0x2;
	s13 =	ssub.s32 s13, s24  }
0x91: {  	s10 =	sadd.s32 $0x7040, s10;
	s13 =	sshll.u32 s13, $0x9  }
0x92: {  	v1 =	vld [tilespmem:s10+$0xFFFFFFC0];
	s13 =	sshra.s32 s13, $0x2  }
0x93: {  	v2 =	vld [tilespmem:s13+$0x0];
	_ =	sdelay $0x4  }
0x94: {  	v1 =	vadd.f32 v1, v2;
	_ =	sdelay $0x1  }
0x95: {  	[tilespmem:s13+$0x0] =	vst v1;
	v1 =	vld [tilespmem:s13+$0x10]  }
0x96: {  	v2 =	vld [tilespmem:s10+$0xFFFFFFD0];
	_ =	sdelay $0x4  }
0x97: {  	v1 =	vadd.f32 v2, v1;
	_ =	sdelay $0x1  }
0x98: {  	[tilespmem:s13+$0x10] =	vst v1;
	v1 =	vld [tilespmem:s13+$0x20]  }
0x99: {  	v2 =	vld [tilespmem:s10+$0xFFFFFFE0];
	_ =	sdelay $0x4  }
0x9a: {  	v1 =	vadd.f32 v2, v1;
	_ =	sdelay $0x1  }
0x9b: {  	[tilespmem:s13+$0x20] =	vst v1;
	v1 =	vld [tilespmem:s13+$0x30]  }
0x9c: {  	v2 =	vld [tilespmem:s10+$0xFFFFFFF0];
	_ =	sdelay $0x4  }
0x9d: {  	v1 =	vadd.f32 v2, v1;
	_ =	sdelay $0x1  }
0x9e: {  	[tilespmem:s13+$0x30] =	vst v1;
	v1 =	vld [tilespmem:s13+$0x40]  }
0x9f: {  	v2 =	vld [tilespmem:s10+$0x0];
	_ =	sdelay $0x4  }
0xa0: {  	v1 =	vadd.f32 v2, v1;
	_ =	sdelay $0x1  }
0xa1: {  	[tilespmem:s13+$0x40] =	vst v1;
	v1 =	vld [tilespmem:s13+$0x50]  }
0xa2: {  	v2 =	vld [tilespmem:s10+$0x10];
	_ =	sdelay $0x4  }
0xa3: {  	v1 =	vadd.f32 v2, v1;
	_ =	sdelay $0x1  }
0xa4: {  	[tilespmem:s13+$0x50] =	vst v1;
	v1 =	vld [tilespmem:s13+$0x60]  }
0xa5: {  	v2 =	vld [tilespmem:s10+$0x20];
	_ =	sdelay $0x4  }
0xa6: {  	v1 =	vadd.f32 v2, v1;
	_ =	sdelay $0x1  }
0xa7: {  	s11 =	sadd.s32 $0x1, s11;
	[tilespmem:s13+$0x60] =	vst v1;
	v1 =	vld [tilespmem:s13+$0x70]  }
0xa8: {  	p1 =	slt.s32 s11, s14;
	v2 =	vld [tilespmem:s10+$0x30]  }
.Ltmp9:
0xa9: {  	_ = 	snop;
	(pc) =	sbr.rel @!p1 .LBB2_9-.Ltmp9, $2  }
0xaa: {  	_ =	sdelay $0x2  }
0xab: {  	v1 =	vadd.f32 v2, v1  }
.LBB2_8:
0xac: {  	_ = 	snop  }
0xad: {  	s11 =	sadd.s32 $0x1, s11;
	s8 =	sadd.s32 $0x10, s8;
	s10 =	sadd.s32 $0x80, s10;
	[tilespmem:s13+$0x70] =	vst v1  }
0xae: {  	p1 =	slt.s32 s11, s14;
	v1 =	vld [tilespmem:s8+$0x0];
	_ =	sdelay $0x4  }
0xaf: {  	(v2sf) =	vpush v1, $0x0;
	_ =	sdelay $0xe  }
0xb0: {  	s13 =	spop (v2sf)  }
0xb1: {  	s13 =	ssub.s32 s13, s24  }
0xb2: {  	s13 =	sshll.u32 s13, $0x9  }
0xb3: {  	s13 =	sshra.s32 s13, $0x2;
	v1 =	vld [tilespmem:s10+$0xFFFFFFC0]  }
0xb4: {  	v2 =	vld [tilespmem:s13+$0x0];
	_ =	sdelay $0x4  }
0xb5: {  	v1 =	vadd.f32 v1, v2;
	_ =	sdelay $0x1  }
0xb6: {  	[tilespmem:s13+$0x0] =	vst v1;
	v1 =	vld [tilespmem:s13+$0x10]  }
0xb7: {  	v2 =	vld [tilespmem:s10+$0xFFFFFFD0];
	_ =	sdelay $0x4  }
0xb8: {  	v1 =	vadd.f32 v2, v1;
	_ =	sdelay $0x1  }
0xb9: {  	[tilespmem:s13+$0x10] =	vst v1;
	v1 =	vld [tilespmem:s13+$0x20]  }
0xba: {  	v2 =	vld [tilespmem:s10+$0xFFFFFFE0];
	_ =	sdelay $0x4  }
0xbb: {  	v1 =	vadd.f32 v2, v1;
	_ =	sdelay $0x1  }
0xbc: {  	[tilespmem:s13+$0x20] =	vst v1;
	v1 =	vld [tilespmem:s13+$0x30]  }
0xbd: {  	v2 =	vld [tilespmem:s10+$0xFFFFFFF0];
	_ =	sdelay $0x4  }
0xbe: {  	v1 =	vadd.f32 v2, v1;
	_ =	sdelay $0x1  }
0xbf: {  	[tilespmem:s13+$0x30] =	vst v1;
	v1 =	vld [tilespmem:s13+$0x40]  }
0xc0: {  	v2 =	vld [tilespmem:s10+$0x0];
	_ =	sdelay $0x4  }
0xc1: {  	v1 =	vadd.f32 v2, v1;
	_ =	sdelay $0x1  }
0xc2: {  	[tilespmem:s13+$0x40] =	vst v1;
	v1 =	vld [tilespmem:s13+$0x50]  }
0xc3: {  	v2 =	vld [tilespmem:s10+$0x10];
	_ =	sdelay $0x4  }
0xc4: {  	v1 =	vadd.f32 v2, v1;
	_ =	sdelay $0x1  }
0xc5: {  	[tilespmem:s13+$0x50] =	vst v1;
	v1 =	vld [tilespmem:s13+$0x60]  }
0xc6: {  	v2 =	vld [tilespmem:s10+$0x20];
	_ =	sdelay $0x4  }
0xc7: {  	v1 =	vadd.f32 v2, v1;
	_ =	sdelay $0x1  }
0xc8: {  	[tilespmem:s13+$0x60] =	vst v1;
	v1 =	vld [tilespmem:s13+$0x70]  }
0xc9: {  	v2 =	vld [tilespmem:s10+$0x30]  }
.Ltmp10:
0xca: {  	(pc) =	sbr.rel @p1 .LBB2_8-.Ltmp10, $2  }
0xcb: {  	_ =	sdelay $0x2  }
0xcc: {  	v1 =	vadd.f32 v2, v1  }
.LBB2_9:
0xcd: {  	_ = 	snop  }
0xce: {  	[tilespmem:s13+$0x70] =	vst v1  }
.LBB2_10:
0xcf: {  	p1 =	sge.s32 @!p0 s5, s28  }
0xd0: {  	s8 =	simm.s32 @!p0 $0x2;
	p1 =	por p1, p0  }
0xd1: {  	_ =	swait.ge @!p0 [sflag:s8], $0x4000;
	s0 =	sadd.s32 @!p1 $0x100, s0  }
0xd2: {  	[sflag:s8] =	ssyncset.done @!p0 $0x0;
	s10 =	simm.s32 @!p1 $0xB000;
	s5 =	sshrl.u32 @!p1 s0, $0x3  }
0xd3: {  	[sflag:s8] =	ssyncadd.s32 @!p0 $0xFFFFC000;
	s8 =	simm.s32 @!p1 $0x0;
	s5 =	sadd.s32 @!p1 s2, s5  }
0xd4: {  	[tilespmem:s10], [sflag:$0x3] =	stream.linear.gather @!p1 [hbm4b:s5+s8], $0x80, $0x38;
	[tilespmem:$0x13380] =	vst v63  }
0xd5: {  	s5 =	simm.s32 @!p1 $0x3  }
0xd6: {  	s0 =	sshll.u32 @!p1 s0, $0x1;
	_ =	swait.ge @!p1 [sflag:s5], $0x80  }
0xd7: {  	s0 =	sand.u32 @!p1 $0x1FFFFF00, s0;
	[sflag:s5] =	ssyncset.done @!p1 $0x0  }
0xd8: {  	s11 =	simm.s32 @!p1 $0xB080;
	s0 =	sadd.s32 @!p1 s7, s0;
	[sflag:s5] =	ssyncadd.s32 @!p1 $0xFFFFFF80  }
0xd9: {  	[tilespmem:s11], [sflag:$0x3] =	stream.linear.gather @!p1 [hbm4b:s0+s8], $0x800, $0x38;
	[tilespmem:$0x13380] =	vst v63  }
0xda: {  	_ =	swait.ge @!p1 [sflag:s5], $0x800  }
0xdb: {  	[sflag:s5] =	ssyncset.done @!p1 $0x0  }
0xdc: {  	s0 =	simm.s32 @!p1 $0x80;
	[sflag:s5] =	ssyncadd.s32 @!p1 $0xFFFFF800;
	s5 =	simm.s32 @!p1 $0x7000  }
0xdd: {  	[tilespmem:s5], [sflag:$0x1] =	stream.indirect.gather @!p1 [hbm4b:s1+s0], $0x80, s10, s0, $0xb8;
	[tilespmem:$0x13380] =	vst v63  }
0xde: {  	s10 =	ssub.s32 @!p0 s20, s31;
	s0 =	ssub.s32 @!p0 s21, s31  }
0xdf: {  	p1 =	sgt.s32 @!p0 s10, $0x0;
	p2 =	slt.s32 @!p0 s0, $0x80  }
0xe0: {  	p1 =	por !p1, p0;
	p2 =	por !p2, p0  }
0xe1: {  	s10 =	simm.s32 @p1 $0x0;
	s0 =	simm.s32 @p2 $0x80  }
0xe2: {  	p1 =	sge.s32 @!p0 s10, s0  }
0xe3: {  	p0 =	por p0, p1  }
.Ltmp11:
0xe4: {  	_ = 	snop;
	(pc) =	sbr.rel @p0 .LBB2_14-.Ltmp11, $1  }
0xe5: {  	_ =	sdelay $0x3  }
0xe6: {  	p0 =	sgt.s32 s29, $0x0;
	s8 =	smov.u32 s29  }
0xe7: {  	s8 =	simm.s32 @!p0 $0x0  }
0xe8: {  	s5 =	sshll.u32 s8, $0x6  }
0xe9: {  	s5 =	sshra.s32 s5, $0x2  }
0xea: {  	s5 =	sadd.s32 $0xF900, s5  }
0xeb: {  	v1 =	vld [tilespmem:s5+$0x0];
	_ =	sdelay $0x4  }
0xec: {  	(v2sf) =	vpush v1, $0x0;
	_ =	sdelay $0xe  }
0xed: {  	s8 =	sshll.u32 s8, $0x9;
	s11 =	spop (v2sf)  }
0xee: {  	s8 =	sshra.s32 s8, $0x2;
	s11 =	ssub.s32 s11, s24  }
0xef: {  	s8 =	sadd.s32 $0xB8C0, s8;
	s11 =	sshll.u32 s11, $0x9  }
0xf0: {  	v1 =	vld [tilespmem:s8+$0xFFFFFFC0];
	s11 =	sshra.s32 s11, $0x2  }
0xf1: {  	v2 =	vld [tilespmem:s11+$0x0];
	_ =	sdelay $0x4  }
0xf2: {  	v1 =	vadd.f32 v1, v2;
	_ =	sdelay $0x1  }
0xf3: {  	[tilespmem:s11+$0x0] =	vst v1;
	v1 =	vld [tilespmem:s11+$0x10]  }
0xf4: {  	v2 =	vld [tilespmem:s8+$0xFFFFFFD0];
	_ =	sdelay $0x4  }
0xf5: {  	v1 =	vadd.f32 v2, v1;
	_ =	sdelay $0x1  }
0xf6: {  	[tilespmem:s11+$0x10] =	vst v1;
	v1 =	vld [tilespmem:s11+$0x20]  }
0xf7: {  	v2 =	vld [tilespmem:s8+$0xFFFFFFE0];
	_ =	sdelay $0x4  }
0xf8: {  	v1 =	vadd.f32 v2, v1;
	_ =	sdelay $0x1  }
0xf9: {  	[tilespmem:s11+$0x20] =	vst v1;
	v1 =	vld [tilespmem:s11+$0x30]  }
0xfa: {  	v2 =	vld [tilespmem:s8+$0xFFFFFFF0];
	_ =	sdelay $0x4  }
0xfb: {  	v1 =	vadd.f32 v2, v1;
	_ =	sdelay $0x1  }
0xfc: {  	[tilespmem:s11+$0x30] =	vst v1;
	v1 =	vld [tilespmem:s11+$0x40]  }
0xfd: {  	v2 =	vld [tilespmem:s8+$0x0];
	_ =	sdelay $0x4  }
0xfe: {  	v1 =	vadd.f32 v2, v1;
	_ =	sdelay $0x1  }
0xff: {  	[tilespmem:s11+$0x40] =	vst v1;
	v1 =	vld [tilespmem:s11+$0x50]  }
0x100: {  	v2 =	vld [tilespmem:s8+$0x10];
	_ =	sdelay $0x4  }
0x101: {  	v1 =	vadd.f32 v2, v1;
	_ =	sdelay $0x1  }
0x102: {  	[tilespmem:s11+$0x50] =	vst v1;
	v1 =	vld [tilespmem:s11+$0x60]  }
0x103: {  	v2 =	vld [tilespmem:s8+$0x20];
	_ =	sdelay $0x4  }
0x104: {  	v1 =	vadd.f32 v2, v1;
	_ =	sdelay $0x1  }
0x105: {  	[tilespmem:s11+$0x60] =	vst v1;
	v1 =	vld [tilespmem:s11+$0x70]  }
0x106: {  	s10 =	sadd.s32 $0x1, s10;
	v2 =	vld [tilespmem:s8+$0x30]  }
0x107: {  	p0 =	slt.s32 s10, s0  }
.Ltmp12:
0x108: {  	_ = 	snop;
	(pc) =	sbr.rel @!p0 .LBB2_13-.Ltmp12, $2  }
0x109: {  	_ =	sdelay $0x1  }
0x10a: {  	v1 =	vadd.f32 v2, v1;
	_ =	sdelay $0x1  }
.LBB2_12:
0x10b: {  	s10 =	sadd.s32 $0x1, s10;
	[tilespmem:s11+$0x70] =	vst v1;
	s5 =	sadd.s32 $0x10, s5;
	s8 =	sadd.s32 $0x80, s8  }
0x10c: {  	v1 =	vld [tilespmem:s5+$0x0];
	p0 =	slt.s32 s10, s0;
	_ =	sdelay $0x4  }
0x10d: {  	(v2sf) =	vpush v1, $0x0;
	_ =	sdelay $0xe  }
0x10e: {  	s11 =	spop (v2sf)  }
0x10f: {  	s11 =	ssub.s32 s11, s24  }
0x110: {  	s11 =	sshll.u32 s11, $0x9  }
0x111: {  	s11 =	sshra.s32 s11, $0x2;
	v1 =	vld [tilespmem:s8+$0xFFFFFFC0]  }
0x112: {  	v2 =	vld [tilespmem:s11+$0x0];
	_ =	sdelay $0x4  }
0x113: {  	v1 =	vadd.f32 v1, v2;
	_ =	sdelay $0x1  }
0x114: {  	[tilespmem:s11+$0x0] =	vst v1;
	v1 =	vld [tilespmem:s11+$0x10]  }
0x115: {  	v2 =	vld [tilespmem:s8+$0xFFFFFFD0];
	_ =	sdelay $0x4  }
0x116: {  	v1 =	vadd.f32 v2, v1;
	_ =	sdelay $0x1  }
0x117: {  	[tilespmem:s11+$0x10] =	vst v1;
	v1 =	vld [tilespmem:s11+$0x20]  }
0x118: {  	v2 =	vld [tilespmem:s8+$0xFFFFFFE0];
	_ =	sdelay $0x4  }
0x119: {  	v1 =	vadd.f32 v2, v1;
	_ =	sdelay $0x1  }
0x11a: {  	[tilespmem:s11+$0x20] =	vst v1;
	v1 =	vld [tilespmem:s11+$0x30]  }
0x11b: {  	v2 =	vld [tilespmem:s8+$0xFFFFFFF0];
	_ =	sdelay $0x4  }
0x11c: {  	v1 =	vadd.f32 v2, v1;
	_ =	sdelay $0x1  }
0x11d: {  	[tilespmem:s11+$0x30] =	vst v1;
	v1 =	vld [tilespmem:s11+$0x40]  }
0x11e: {  	v2 =	vld [tilespmem:s8+$0x0];
	_ =	sdelay $0x4  }
0x11f: {  	v1 =	vadd.f32 v2, v1;
	_ =	sdelay $0x1  }
0x120: {  	[tilespmem:s11+$0x40] =	vst v1;
	v1 =	vld [tilespmem:s11+$0x50]  }
0x121: {  	v2 =	vld [tilespmem:s8+$0x10];
	_ =	sdelay $0x4  }
0x122: {  	v1 =	vadd.f32 v2, v1;
	_ =	sdelay $0x1  }
0x123: {  	[tilespmem:s11+$0x50] =	vst v1;
	v1 =	vld [tilespmem:s11+$0x60]  }
0x124: {  	v2 =	vld [tilespmem:s8+$0x20];
	_ =	sdelay $0x4  }
0x125: {  	v1 =	vadd.f32 v2, v1;
	_ =	sdelay $0x1  }
0x126: {  	[tilespmem:s11+$0x60] =	vst v1;
	v1 =	vld [tilespmem:s11+$0x70]  }
0x127: {  	v2 =	vld [tilespmem:s8+$0x30]  }
.Ltmp13:
0x128: {  	(pc) =	sbr.rel @p0 .LBB2_12-.Ltmp13, $2  }
0x129: {  	_ =	sdelay $0x2  }
0x12a: {  	v1 =	vadd.f32 v2, v1  }
.Ltmp14:
0x12b: {  	_ = 	snop;
	(pc) =	sbr.rel .LBB2_13-.Ltmp14, $1  }
0x12c: {  	_ =	sdelay $0x3  }
.LBB2_17:
0x12d: {  	_ =	sfence.sel $0x180000  }
0x12e: {  	[bflag:$0x0] =	sbarrier.arrive $0xFFFF  }
0x12f: {  	_ =	strace $0x90000047  }
0x130: {  	s0 =	stileid.u32;
	[bflag:$0x2] =	sbarrier.arrive $0xFFFF  }
0x131: {  	p0 =	sne.s32 s0, $0x0;
	s0 =	rddreg [dreg:$0x5]  }
0x132: {  	s0 =	sadd.s32 @!p0 $0x100000, s0  }
0x133: {  	[sflag:s0] =	ssyncadd.tile.s32 @!p0 $0x1;
	_ =	shalt  }
.Lfunc_end2:
_tile_overlayer_lowered:
.L_overlay_start_2:
0x134: {  	(tag) =	ssettag $0x2  }
0x135: {  	s0 =	rddreg [dreg:$0x0];
	s2 =	stileid.u32  }
0x136: {  	s1 =	rddreg [dreg:$0x1];
	p0 =	sne.s32 s2, $0x0  }
0x137: {  	s3 =	rddreg [dreg:$0x2];
	[bflag:$0x3] =	sbarrier.arrive $0xFFFF;
	s2 =	simm.s32 @!p0 $0x1C03  }
0x138: {  	[timem:s3], [sflag:s2] =	dma.local @!p0 [hbm:s0], s1  }
0x139: {  	s0 =	simm.s32 @!p0 $0x3  }
0x13a: {  	_ =	swait.ge @!p0 [sflag:s0], s1  }
0x13b: {  	s1 =	ssub.s32 @!p0 $0x0, s1;
	[sflag:s0] =	ssyncset.done @!p0 $0x0  }
0x13c: {  	[sflag:s0] =	ssyncadd.s32 @!p0 s1  }
0x13d: {  	[bflag:$0x3] =	sbarrier.arrive $0xFFFF  }
0x13e: {  	_ =	shalt  }

</sc_bundles>
